<compile_context>
chip_gen: v7x
topology: tpu7x:2x2x1
jax: 0.10.2.dev20260603
libtpu: 0.0.44.dev20260713+nightly
codegen_flags: <defaults>
</compile_context>

<pallas_src>
import jax
import jax.numpy as jnp
from jax import lax
from jax.experimental import pallas as pl
from jax.experimental.pallas import tpu as pltpu
from jax.experimental.pallas import tpu_sc as plsc

_WEIGHT = 0.1
_LANES = 16


def _scores_body(enc_ref, hid_ref, w_ref, b_ref, v_ref, out_ref):
    Tb, B, H = enc_ref.shape
    H2 = 2 * H
    w1 = w_ref[:, :H]
    w2 = w_ref[:, H:]
    dn = (((1,), (1,)), ((), ()))
    c2 = lax.dot_general(hid_ref[...], w1, dn,
                         preferred_element_type=jnp.float32) + b_ref[...]
    enc2 = enc_ref[...].reshape(Tb * B, H)
    m = lax.dot_general(enc2.astype(jnp.bfloat16), w2.astype(jnp.bfloat16),
                        dn, preferred_element_type=jnp.float32)
    c3 = jnp.broadcast_to(c2[None], (Tb, B, H2)).reshape(Tb * B, H2)
    e = jnp.tanh(m + c3)
    srow = lax.dot_general(v_ref[...], e, dn,
                           preferred_element_type=jnp.float32)
    out_ref[...] = srow.reshape(1, 1, Tb * B)


def _attention_scores(enc, hidden, attn_w, bias, v, tb=1024):
    T, B, H = enc.shape
    H2 = 2 * H
    grid = T // tb
    out = pl.pallas_call(
        _scores_body,
        grid=(grid,),
        in_specs=[
            pl.BlockSpec((tb, B, H), lambda g: (g, 0, 0)),
            pl.BlockSpec((B, H), lambda g: (0, 0)),
            pl.BlockSpec((H2, H2), lambda g: (0, 0)),
            pl.BlockSpec((1, H2), lambda g: (0, 0)),
            pl.BlockSpec((1, H2), lambda g: (0, 0)),
        ],
        out_specs=pl.BlockSpec((1, 1, tb * B), lambda g: (g, 0, 0)),
        out_shape=jax.ShapeDtypeStruct((grid, 1, tb * B), jnp.float32),
    )(enc, hidden, attn_w, bias, v)
    return out.reshape(T * B)


def _edge_scatter_body(sflat_hbm, g_hbm, out_hbm,
                       sflat_v, w_v, src_v, dst_v, acc_v):
    B = g_hbm.shape[0]
    E = g_hbm.shape[2]
    T = out_hbm.shape[1]
    b = lax.axis_index("s")

    @pl.when(b < B)
    def _():
        pltpu.sync_copy(sflat_hbm, sflat_v)
        pltpu.sync_copy(g_hbm.at[b, 0], src_v)
        pltpu.sync_copy(g_hbm.at[b, 1], dst_v)
        lane = lax.iota(jnp.int32, _LANES)

        def exp_body(i, acc):
            idx = i * (_LANES * B) + lane * B + b
            ev = jnp.exp(plsc.load_gather(sflat_v, [idx]))
            w_v[pl.ds(i * _LANES, _LANES)] = ev
            acc_v[pl.ds(i * _LANES, _LANES)] = jnp.zeros((_LANES,),
                                                         jnp.float32)
            return acc + ev

        acc = lax.fori_loop(0, T // _LANES, exp_body,
                            jnp.zeros((_LANES,), jnp.float32), unroll=8)
        scale = _WEIGHT / (jnp.zeros((_LANES,), jnp.float32) + jnp.sum(acc))

        def edge_body(i, carry):
            sv = src_v[pl.ds(i * _LANES, _LANES)]
            dv = dst_v[pl.ds(i * _LANES, _LANES)]
            vals = plsc.load_gather(w_v, [sv]) * scale
            mask = dv != sv + 1
            plsc.addupdate_scatter(acc_v, [dv], vals, mask=mask)
            return carry

        lax.fori_loop(0, E // _LANES, edge_body, 0, unroll=8)
        pltpu.sync_copy(acc_v, out_hbm.at[b])


def _edge_scatter(scores_flat, graph3, T):
    B = graph3.shape[0]
    E = graph3.shape[2]
    mesh = plsc.VectorSubcoreMesh(core_axis_name="c", subcore_axis_name="s",
                                  num_cores=1, num_subcores=16)
    fn = pl.kernel(
        _edge_scatter_body,
        out_type=jax.ShapeDtypeStruct((B, T), jnp.float32),
        mesh=mesh,
        scratch_types=[
            pltpu.VMEM((T * B,), jnp.float32),
            pltpu.VMEM((T,), jnp.float32),
            pltpu.VMEM((E,), jnp.int32),
            pltpu.VMEM((E,), jnp.int32),
            pltpu.VMEM((T,), jnp.float32),
        ],
        compiler_params=pltpu.CompilerParams(needs_layout_passes=False),
    )
    return fn(scores_flat, graph3)


def kernel(hidden, encoder_outputs, graph, attn_W, attn_b, v):
    B, H = hidden.shape
    T = encoder_outputs.shape[0]
    bias = attn_b.reshape(1, -1)
    vrow = v.reshape(1, -1)
    scores_flat = _attention_scores(encoder_outputs, hidden, attn_W, bias,
                                    vrow)
    graph3 = graph.reshape(B, 2, graph.shape[-1]).astype(jnp.int32)
    out = _edge_scatter(scores_flat, graph3, T)
    return out[:, None, :]

# --- scband reference (transcript-rebuilt; emitter-appended) ---
"""Pipeline reference for scband-graph-attention-25572235280995 (READ-ONLY COPY).

The authoritative reference and input builder live on the scoring server;
editing this copy changes nothing except your own understanding.
"""

import jax, jax.numpy as jnp
import numpy as np

MODE = 'son'
PATH = 1
WEIGHT = 0.1


def setup_inputs(seed: int = 0) -> dict:
    key = jax.random.key(seed)
    ks = jax.random.split(key, 6)
    B, T, H, E = 8, 4096, 128, 4096
    hidden = jax.random.normal(ks[0], (B, H), dtype=jnp.float32)
    encoder_outputs = jax.random.normal(ks[1], (T, B, H), dtype=jnp.float32)
    graph = jax.random.randint(ks[2], (B, 1, 2, E), 0, T)
    stdv = 1.0 / np.sqrt(2 * H)
    attn_W = jax.random.uniform(ks[3], (2 * H, 2 * H), minval=-stdv, maxval=stdv, dtype=jnp.float32)
    attn_b = jax.random.uniform(ks[4], (2 * H,), minval=-stdv, maxval=stdv, dtype=jnp.float32)
    v = jax.random.uniform(ks[5], (2 * H,), minval=-stdv, maxval=stdv, dtype=jnp.float32)
    return {"hidden": hidden, "encoder_outputs": encoder_outputs, "graph": graph,
            "attn_W": attn_W, "attn_b": attn_b, "v": v}


def reference(hidden, encoder_outputs, graph, attn_W, attn_b, v):
    T = encoder_outputs.shape[0]
    B = encoder_outputs.shape[1]
    H = encoder_outputs.shape[2]
    # h = hidden.repeat(T,1,1).transpose(0,1) -> [B, T, H]
    h = jnp.broadcast_to(hidden[:, None, :], (B, T, H))
    enc = jnp.transpose(encoder_outputs, (1, 0, 2))  # [B, T, H]
    cat = jnp.concatenate([h, enc], axis=2)  # [B, T, 2H]
    energy = jnp.tanh(cat @ attn_W.T + attn_b)  # [B, T, 2H]
    # bmm(v[B,1,2H], energy.transpose(1,2)[B,2H,T]).squeeze(1) -> [B, T]
    scores = jnp.einsum('btd,d->bt', energy, v)
    weights = jax.nn.softmax(scores, axis=1)  # [B, T]
    # expand_attn: scatter attention weight along graph edges, skipping y == x+1
    batch_idx = jnp.arange(B)[:, None]
    w = weights
    for _ in range(PATH):
        src = graph[:, 0, 0, :]  # [B, E]
        dst = graph[:, 0, 1, :]  # [B, E]
        mask = (dst != src + 1).astype(w.dtype)
        if MODE == 'son':
            vals = jnp.take_along_axis(w, src, axis=1) * mask
            new_w = jnp.zeros_like(w).at[batch_idx, dst].add(vals)
        else:
            vals = jnp.take_along_axis(w, dst, axis=1) * mask
            new_w = jnp.zeros_like(w).at[batch_idx, src].add(vals)
        w = new_w * WEIGHT
    return w[:, None, :]  # [B, 1, T]

if __name__ == "__main__":
    import jax
    _d = setup_inputs()
    print(jax.jit(kernel)(*tuple(_d.values())))

</pallas_src>

<mosaic_0001>
#map = affine_map<(d0, d1) -> (0)>
#map1 = affine_map<(d0, d1) -> (0, 0, 0)>
#map2 = affine_map<(d0, d1) -> (0, 0)>
module attributes {stable_mosaic.version = 14 : i64} {
  func.func @_edge_scatter_body(%arg0: i32, %arg1: i32, %arg2: memref<32768xf32, #tpu.memory_space<hbm>>, %arg3: memref<8x2x4096xi32, #tpu.memory_space<hbm>>, %arg4: memref<8x4096xf32, #tpu.memory_space<hbm>>, %arg5: memref<32768xf32, #tpu.memory_space<vmem>>, %arg6: memref<4096xf32, #tpu.memory_space<vmem>>, %arg7: memref<4096xi32, #tpu.memory_space<vmem>>, %arg8: memref<4096xi32, #tpu.memory_space<vmem>>, %arg9: memref<4096xf32, #tpu.memory_space<vmem>>) attributes {dimension_semantics = [#tpu.dimension_semantics<core_parallel>, #tpu.dimension_semantics<subcore_parallel>], iteration_bounds = array<i64: 1, 16>, scalar_prefetch = 0 : i64, scratch_operands = 5 : i64, tpu.core_type = #tpu.core_type<sc_vector_subcore>, window_params = [{transform_indices = #map}, {transform_indices = #map1}, {transform_indices = #map2}]} {
    %lt3A = arith.constant 8 : i32
    %lt3A_0 = arith.cmpi slt, %arg1, %lt3A : i32
    %convert_element_type3A = arith.extui %lt3A_0 : i1 to i32
    %cond3A = arith.constant 0 : i32
    %cond3A_1 = arith.cmpi ne, %convert_element_type3A, %cond3A : i32
    scf.if %cond3A_1 {
      "tpu.region"() ({
        %run_scoped3A_23 = tpu.sem_alloc : memref<!tpu.dma_semaphore, #tpu.memory_space<semaphore_mem>>
        tpu.enqueue_dma source(%arg2 : memref<32768xf32, #tpu.memory_space<hbm>>) target(%arg5 : memref<32768xf32, #tpu.memory_space<vmem>>) target_semaphore(%run_scoped3A_23 : memref<!tpu.dma_semaphore, #tpu.memory_space<semaphore_mem>>)
        tpu.wait_dma2 semaphore(%run_scoped3A_23 : memref<!tpu.dma_semaphore, #tpu.memory_space<semaphore_mem>>) src(%arg2 : memref<32768xf32, #tpu.memory_space<hbm>>) dst(%arg5 : memref<32768xf32, #tpu.memory_space<vmem>>)
        tpu.yield
      }) : () -> ()
      %run_scoped3A = arith.constant 0 : i32
      "tpu.region"() ({
        %run_scoped3A_23 = tpu.sem_alloc : memref<!tpu.dma_semaphore, #tpu.memory_space<semaphore_mem>>
        %dma_start3A = arith.constant 0 : i32
        %dma_start3A_24 = tpu.memref_slice %arg3[%arg1, %run_scoped3A, %dma_start3A] : memref<8x2x4096xi32, #tpu.memory_space<hbm>> -> memref<1x1x4096xi32, #tpu.memory_space<hbm>>
        %dma_start3A_25 = tpu.memref_squeeze %dma_start3A_24 : memref<1x1x4096xi32, #tpu.memory_space<hbm>> -> memref<4096xi32, #tpu.memory_space<hbm>>
        %dma_start3A_26 = arith.constant 0 : i32
        %dma_start3A_27 = tpu.memref_slice %arg3[%arg1, %run_scoped3A, %dma_start3A_26] : memref<8x2x4096xi32, #tpu.memory_space<hbm>> -> memref<1x1x4096xi32, #tpu.memory_space<hbm>>
        %dma_start3A_28 = tpu.memref_squeeze %dma_start3A_27 : memref<1x1x4096xi32, #tpu.memory_space<hbm>> -> memref<4096xi32, #tpu.memory_space<hbm>>
        tpu.enqueue_dma source(%dma_start3A_28 : memref<4096xi32, #tpu.memory_space<hbm>>) target(%arg7 : memref<4096xi32, #tpu.memory_space<vmem>>) target_semaphore(%run_scoped3A_23 : memref<!tpu.dma_semaphore, #tpu.memory_space<semaphore_mem>>)
        %dma_wait3A = arith.constant 0 : i32
        %dma_wait3A_29 = tpu.memref_slice %arg3[%arg1, %run_scoped3A, %dma_wait3A] : memref<8x2x4096xi32, #tpu.memory_space<hbm>> -> memref<1x1x4096xi32, #tpu.memory_space<hbm>>
        %dma_wait3A_30 = tpu.memref_squeeze %dma_wait3A_29 : memref<1x1x4096xi32, #tpu.memory_space<hbm>> -> memref<4096xi32, #tpu.memory_space<hbm>>
        %dma_wait3A_31 = arith.constant 0 : i32
        %dma_wait3A_32 = tpu.memref_slice %arg3[%arg1, %run_scoped3A, %dma_wait3A_31] : memref<8x2x4096xi32, #tpu.memory_space<hbm>> -> memref<1x1x4096xi32, #tpu.memory_space<hbm>>
        %dma_wait3A_33 = tpu.memref_squeeze %dma_wait3A_32 : memref<1x1x4096xi32, #tpu.memory_space<hbm>> -> memref<4096xi32, #tpu.memory_space<hbm>>
        tpu.wait_dma2 semaphore(%run_scoped3A_23 : memref<!tpu.dma_semaphore, #tpu.memory_space<semaphore_mem>>) src(%dma_wait3A_33 : memref<4096xi32, #tpu.memory_space<hbm>>) dst(%arg7 : memref<4096xi32, #tpu.memory_space<vmem>>)
        tpu.yield
      }) : () -> ()
      %run_scoped3A_2 = arith.constant 1 : i32
      "tpu.region"() ({
        %run_scoped3A_23 = tpu.sem_alloc : memref<!tpu.dma_semaphore, #tpu.memory_space<semaphore_mem>>
        %dma_start3A = arith.constant 0 : i32
        %dma_start3A_24 = tpu.memref_slice %arg3[%arg1, %run_scoped3A_2, %dma_start3A] : memref<8x2x4096xi32, #tpu.memory_space<hbm>> -> memref<1x1x4096xi32, #tpu.memory_space<hbm>>
        %dma_start3A_25 = tpu.memref_squeeze %dma_start3A_24 : memref<1x1x4096xi32, #tpu.memory_space<hbm>> -> memref<4096xi32, #tpu.memory_space<hbm>>
        %dma_start3A_26 = arith.constant 0 : i32
        %dma_start3A_27 = tpu.memref_slice %arg3[%arg1, %run_scoped3A_2, %dma_start3A_26] : memref<8x2x4096xi32, #tpu.memory_space<hbm>> -> memref<1x1x4096xi32, #tpu.memory_space<hbm>>
        %dma_start3A_28 = tpu.memref_squeeze %dma_start3A_27 : memref<1x1x4096xi32, #tpu.memory_space<hbm>> -> memref<4096xi32, #tpu.memory_space<hbm>>
        tpu.enqueue_dma source(%dma_start3A_28 : memref<4096xi32, #tpu.memory_space<hbm>>) target(%arg8 : memref<4096xi32, #tpu.memory_space<vmem>>) target_semaphore(%run_scoped3A_23 : memref<!tpu.dma_semaphore, #tpu.memory_space<semaphore_mem>>)
        %dma_wait3A = arith.constant 0 : i32
        %dma_wait3A_29 = tpu.memref_slice %arg3[%arg1, %run_scoped3A_2, %dma_wait3A] : memref<8x2x4096xi32, #tpu.memory_space<hbm>> -> memref<1x1x4096xi32, #tpu.memory_space<hbm>>
        %dma_wait3A_30 = tpu.memref_squeeze %dma_wait3A_29 : memref<1x1x4096xi32, #tpu.memory_space<hbm>> -> memref<4096xi32, #tpu.memory_space<hbm>>
        %dma_wait3A_31 = arith.constant 0 : i32
        %dma_wait3A_32 = tpu.memref_slice %arg3[%arg1, %run_scoped3A_2, %dma_wait3A_31] : memref<8x2x4096xi32, #tpu.memory_space<hbm>> -> memref<1x1x4096xi32, #tpu.memory_space<hbm>>
        %dma_wait3A_33 = tpu.memref_squeeze %dma_wait3A_32 : memref<1x1x4096xi32, #tpu.memory_space<hbm>> -> memref<4096xi32, #tpu.memory_space<hbm>>
        tpu.wait_dma2 semaphore(%run_scoped3A_23 : memref<!tpu.dma_semaphore, #tpu.memory_space<semaphore_mem>>) src(%dma_wait3A_33 : memref<4096xi32, #tpu.memory_space<hbm>>) dst(%arg8 : memref<4096xi32, #tpu.memory_space<vmem>>)
        tpu.yield
      }) : () -> ()
      %iota3A = tpu.iota {dimensions = array<i32: 0>} : vector<16xi32>
      %broadcast_in_dim3A = arith.constant 0.000000e+00 : f32
      %broadcast_in_dim3A_3 = vector.broadcast %broadcast_in_dim3A : f32 to vector<16xf32>
      %scan3A = arith.constant 0 : i32
      %scan3A_4 = arith.constant 256 : i32
      %scan3A_5 = arith.addi %scan3A, %scan3A_4 : i32
      %scan3A_6 = arith.constant 8 : i32
      %scan3A_7 = scf.for %scan3A_23 = %scan3A to %scan3A_5 step %scan3A_6 iter_args(%scan3A_24 = %broadcast_in_dim3A_3) -> (vector<16xf32>)  : i32 {
        %mul3A = arith.constant 128 : i32
        %mul3A_25 = arith.muli %scan3A_23, %mul3A : i32
        %mul3A_26 = arith.constant 8 : i32
        %mul3A_27 = vector.broadcast %mul3A_26 : i32 to vector<16xi32>
        %mul3A_28 = arith.muli %iota3A, %mul3A_27 : vector<16xi32>
        %add3A_29 = vector.broadcast %mul3A_25 : i32 to vector<16xi32>
        %add3A_30 = arith.addi %add3A_29, %mul3A_28 : vector<16xi32>
        %add3A_31 = vector.broadcast %arg1 : i32 to vector<16xi32>
        %add3A_32 = arith.addi %add3A_30, %add3A_31 : vector<16xi32>
        %gather3A = tpu.vector_load_idx %arg5[%add3A_32] : memref<32768xf32, #tpu.memory_space<vmem>>[vector<16xi32>], vector<16xf32>,
        %exp3A = math.exp %gather3A : vector<16xf32>
        %mul3A_33 = arith.constant 16 : i32
        %mul3A_34 = arith.muli %scan3A_23, %mul3A_33 : i32
        %swap3A = arith.index_cast %mul3A_34 : i32 to index
        %swap3A_35 = tpu.vector_load %arg6[%swap3A] {strides = array<i32>} : memref<4096xf32, #tpu.memory_space<vmem>>, vector<16xf32>,
        tpu.vector_store %arg6[%swap3A], %exp3A {strides = array<i32>} : memref<4096xf32, #tpu.memory_space<vmem>>, vector<16xf32>,
        %broadcast_in_dim3A_36 = arith.constant 0.000000e+00 : f32
        %broadcast_in_dim3A_37 = vector.broadcast %broadcast_in_dim3A_36 : f32 to vector<16xf32>
        %mul3A_38 = arith.constant 16 : i32
        %mul3A_39 = arith.muli %scan3A_23, %mul3A_38 : i32
        %swap3A_40 = arith.index_cast %mul3A_39 : i32 to index
        %swap3A_41 = tpu.vector_load %arg9[%swap3A_40] {strides = array<i32>} : memref<4096xf32, #tpu.memory_space<vmem>>, vector<16xf32>,
        tpu.vector_store %arg9[%swap3A_40], %broadcast_in_dim3A_37 {strides = array<i32>} : memref<4096xf32, #tpu.memory_space<vmem>>, vector<16xf32>,
        %add3A_42 = arith.addf %scan3A_24, %exp3A : vector<16xf32>
        %scan3A_43 = arith.constant 1 : i32
        %scan3A_44 = arith.addi %scan3A_23, %scan3A_43 : i32
        %mul3A_45 = arith.constant 128 : i32
        %mul3A_46 = arith.muli %scan3A_44, %mul3A_45 : i32
        %mul3A_47 = arith.constant 8 : i32
        %mul3A_48 = vector.broadcast %mul3A_47 : i32 to vector<16xi32>
        %mul3A_49 = arith.muli %iota3A, %mul3A_48 : vector<16xi32>
        %add3A_50 = vector.broadcast %mul3A_46 : i32 to vector<16xi32>
        %add3A_51 = arith.addi %add3A_50, %mul3A_49 : vector<16xi32>
        %add3A_52 = vector.broadcast %arg1 : i32 to vector<16xi32>
        %add3A_53 = arith.addi %add3A_51, %add3A_52 : vector<16xi32>
        %gather3A_54 = tpu.vector_load_idx %arg5[%add3A_53] : memref<32768xf32, #tpu.memory_space<vmem>>[vector<16xi32>], vector<16xf32>,
        %exp3A_55 = math.exp %gather3A_54 : vector<16xf32>
        %mul3A_56 = arith.constant 16 : i32
        %mul3A_57 = arith.muli %scan3A_44, %mul3A_56 : i32
        %swap3A_58 = arith.index_cast %mul3A_57 : i32 to index
        %swap3A_59 = tpu.vector_load %arg6[%swap3A_58] {strides = array<i32>} : memref<4096xf32, #tpu.memory_space<vmem>>, vector<16xf32>,
        tpu.vector_store %arg6[%swap3A_58], %exp3A_55 {strides = array<i32>} : memref<4096xf32, #tpu.memory_space<vmem>>, vector<16xf32>,
        %broadcast_in_dim3A_60 = arith.constant 0.000000e+00 : f32
        %broadcast_in_dim3A_61 = vector.broadcast %broadcast_in_dim3A_60 : f32 to vector<16xf32>
        %mul3A_62 = arith.constant 16 : i32
        %mul3A_63 = arith.muli %scan3A_44, %mul3A_62 : i32
        %swap3A_64 = arith.index_cast %mul3A_63 : i32 to index
        %swap3A_65 = tpu.vector_load %arg9[%swap3A_64] {strides = array<i32>} : memref<4096xf32, #tpu.memory_space<vmem>>, vector<16xf32>,
        tpu.vector_store %arg9[%swap3A_64], %broadcast_in_dim3A_61 {strides = array<i32>} : memref<4096xf32, #tpu.memory_space<vmem>>, vector<16xf32>,
        %add3A_66 = arith.addf %add3A_42, %exp3A_55 : vector<16xf32>
        %scan3A_67 = arith.constant 2 : i32
        %scan3A_68 = arith.addi %scan3A_23, %scan3A_67 : i32
        %mul3A_69 = arith.constant 128 : i32
        %mul3A_70 = arith.muli %scan3A_68, %mul3A_69 : i32
        %mul3A_71 = arith.constant 8 : i32
        %mul3A_72 = vector.broadcast %mul3A_71 : i32 to vector<16xi32>
        %mul3A_73 = arith.muli %iota3A, %mul3A_72 : vector<16xi32>
        %add3A_74 = vector.broadcast %mul3A_70 : i32 to vector<16xi32>
        %add3A_75 = arith.addi %add3A_74, %mul3A_73 : vector<16xi32>
        %add3A_76 = vector.broadcast %arg1 : i32 to vector<16xi32>
        %add3A_77 = arith.addi %add3A_75, %add3A_76 : vector<16xi32>
        %gather3A_78 = tpu.vector_load_idx %arg5[%add3A_77] : memref<32768xf32, #tpu.memory_space<vmem>>[vector<16xi32>], vector<16xf32>,
        %exp3A_79 = math.exp %gather3A_78 : vector<16xf32>
        %mul3A_80 = arith.constant 16 : i32
        %mul3A_81 = arith.muli %scan3A_68, %mul3A_80 : i32
        %swap3A_82 = arith.index_cast %mul3A_81 : i32 to index
        %swap3A_83 = tpu.vector_load %arg6[%swap3A_82] {strides = array<i32>} : memref<4096xf32, #tpu.memory_space<vmem>>, vector<16xf32>,
        tpu.vector_store %arg6[%swap3A_82], %exp3A_79 {strides = array<i32>} : memref<4096xf32, #tpu.memory_space<vmem>>, vector<16xf32>,
        %broadcast_in_dim3A_84 = arith.constant 0.000000e+00 : f32
        %broadcast_in_dim3A_85 = vector.broadcast %broadcast_in_dim3A_84 : f32 to vector<16xf32>
        %mul3A_86 = arith.constant 16 : i32
        %mul3A_87 = arith.muli %scan3A_68, %mul3A_86 : i32
        %swap3A_88 = arith.index_cast %mul3A_87 : i32 to index
        %swap3A_89 = tpu.vector_load %arg9[%swap3A_88] {strides = array<i32>} : memref<4096xf32, #tpu.memory_space<vmem>>, vector<16xf32>,
        tpu.vector_store %arg9[%swap3A_88], %broadcast_in_dim3A_85 {strides = array<i32>} : memref<4096xf32, #tpu.memory_space<vmem>>, vector<16xf32>,
        %add3A_90 = arith.addf %add3A_66, %exp3A_79 : vector<16xf32>
        %scan3A_91 = arith.constant 3 : i32
        %scan3A_92 = arith.addi %scan3A_23, %scan3A_91 : i32
        %mul3A_93 = arith.constant 128 : i32
        %mul3A_94 = arith.muli %scan3A_92, %mul3A_93 : i32
        %mul3A_95 = arith.constant 8 : i32
        %mul3A_96 = vector.broadcast %mul3A_95 : i32 to vector<16xi32>
        %mul3A_97 = arith.muli %iota3A, %mul3A_96 : vector<16xi32>
        %add3A_98 = vector.broadcast %mul3A_94 : i32 to vector<16xi32>
        %add3A_99 = arith.addi %add3A_98, %mul3A_97 : vector<16xi32>
        %add3A_100 = vector.broadcast %arg1 : i32 to vector<16xi32>
        %add3A_101 = arith.addi %add3A_99, %add3A_100 : vector<16xi32>
        %gather3A_102 = tpu.vector_load_idx %arg5[%add3A_101] : memref<32768xf32, #tpu.memory_space<vmem>>[vector<16xi32>], vector<16xf32>,
        %exp3A_103 = math.exp %gather3A_102 : vector<16xf32>
        %mul3A_104 = arith.constant 16 : i32
        %mul3A_105 = arith.muli %scan3A_92, %mul3A_104 : i32
        %swap3A_106 = arith.index_cast %mul3A_105 : i32 to index
        %swap3A_107 = tpu.vector_load %arg6[%swap3A_106] {strides = array<i32>} : memref<4096xf32, #tpu.memory_space<vmem>>, vector<16xf32>,
        tpu.vector_store %arg6[%swap3A_106], %exp3A_103 {strides = array<i32>} : memref<4096xf32, #tpu.memory_space<vmem>>, vector<16xf32>,
        %broadcast_in_dim3A_108 = arith.constant 0.000000e+00 : f32
        %broadcast_in_dim3A_109 = vector.broadcast %broadcast_in_dim3A_108 : f32 to vector<16xf32>
        %mul3A_110 = arith.constant 16 : i32
        %mul3A_111 = arith.muli %scan3A_92, %mul3A_110 : i32
        %swap3A_112 = arith.index_cast %mul3A_111 : i32 to index
        %swap3A_113 = tpu.vector_load %arg9[%swap3A_112] {strides = array<i32>} : memref<4096xf32, #tpu.memory_space<vmem>>, vector<16xf32>,
        tpu.vector_store %arg9[%swap3A_112], %broadcast_in_dim3A_109 {strides = array<i32>} : memref<4096xf32, #tpu.memory_space<vmem>>, vector<16xf32>,
        %add3A_114 = arith.addf %add3A_90, %exp3A_103 : vector<16xf32>
        %scan3A_115 = arith.constant 4 : i32
        %scan3A_116 = arith.addi %scan3A_23, %scan3A_115 : i32
        %mul3A_117 = arith.constant 128 : i32
        %mul3A_118 = arith.muli %scan3A_116, %mul3A_117 : i32
        %mul3A_119 = arith.constant 8 : i32
        %mul3A_120 = vector.broadcast %mul3A_119 : i32 to vector<16xi32>
        %mul3A_121 = arith.muli %iota3A, %mul3A_120 : vector<16xi32>
        %add3A_122 = vector.broadcast %mul3A_118 : i32 to vector<16xi32>
        %add3A_123 = arith.addi %add3A_122, %mul3A_121 : vector<16xi32>
        %add3A_124 = vector.broadcast %arg1 : i32 to vector<16xi32>
        %add3A_125 = arith.addi %add3A_123, %add3A_124 : vector<16xi32>
        %gather3A_126 = tpu.vector_load_idx %arg5[%add3A_125] : memref<32768xf32, #tpu.memory_space<vmem>>[vector<16xi32>], vector<16xf32>,
        %exp3A_127 = math.exp %gather3A_126 : vector<16xf32>
        %mul3A_128 = arith.constant 16 : i32
        %mul3A_129 = arith.muli %scan3A_116, %mul3A_128 : i32
        %swap3A_130 = arith.index_cast %mul3A_129 : i32 to index
        %swap3A_131 = tpu.vector_load %arg6[%swap3A_130] {strides = array<i32>} : memref<4096xf32, #tpu.memory_space<vmem>>, vector<16xf32>,
        tpu.vector_store %arg6[%swap3A_130], %exp3A_127 {strides = array<i32>} : memref<4096xf32, #tpu.memory_space<vmem>>, vector<16xf32>,
        %broadcast_in_dim3A_132 = arith.constant 0.000000e+00 : f32
        %broadcast_in_dim3A_133 = vector.broadcast %broadcast_in_dim3A_132 : f32 to vector<16xf32>
        %mul3A_134 = arith.constant 16 : i32
        %mul3A_135 = arith.muli %scan3A_116, %mul3A_134 : i32
        %swap3A_136 = arith.index_cast %mul3A_135 : i32 to index
        %swap3A_137 = tpu.vector_load %arg9[%swap3A_136] {strides = array<i32>} : memref<4096xf32, #tpu.memory_space<vmem>>, vector<16xf32>,
        tpu.vector_store %arg9[%swap3A_136], %broadcast_in_dim3A_133 {strides = array<i32>} : memref<4096xf32, #tpu.memory_space<vmem>>, vector<16xf32>,
        %add3A_138 = arith.addf %add3A_114, %exp3A_127 : vector<16xf32>
        %scan3A_139 = arith.constant 5 : i32
        %scan3A_140 = arith.addi %scan3A_23, %scan3A_139 : i32
        %mul3A_141 = arith.constant 128 : i32
        %mul3A_142 = arith.muli %scan3A_140, %mul3A_141 : i32
        %mul3A_143 = arith.constant 8 : i32
        %mul3A_144 = vector.broadcast %mul3A_143 : i32 to vector<16xi32>
        %mul3A_145 = arith.muli %iota3A, %mul3A_144 : vector<16xi32>
        %add3A_146 = vector.broadcast %mul3A_142 : i32 to vector<16xi32>
        %add3A_147 = arith.addi %add3A_146, %mul3A_145 : vector<16xi32>
        %add3A_148 = vector.broadcast %arg1 : i32 to vector<16xi32>
        %add3A_149 = arith.addi %add3A_147, %add3A_148 : vector<16xi32>
        %gather3A_150 = tpu.vector_load_idx %arg5[%add3A_149] : memref<32768xf32, #tpu.memory_space<vmem>>[vector<16xi32>], vector<16xf32>,
        %exp3A_151 = math.exp %gather3A_150 : vector<16xf32>
        %mul3A_152 = arith.constant 16 : i32
        %mul3A_153 = arith.muli %scan3A_140, %mul3A_152 : i32
        %swap3A_154 = arith.index_cast %mul3A_153 : i32 to index
        %swap3A_155 = tpu.vector_load %arg6[%swap3A_154] {strides = array<i32>} : memref<4096xf32, #tpu.memory_space<vmem>>, vector<16xf32>,
        tpu.vector_store %arg6[%swap3A_154], %exp3A_151 {strides = array<i32>} : memref<4096xf32, #tpu.memory_space<vmem>>, vector<16xf32>,
        %broadcast_in_dim3A_156 = arith.constant 0.000000e+00 : f32
        %broadcast_in_dim3A_157 = vector.broadcast %broadcast_in_dim3A_156 : f32 to vector<16xf32>
        %mul3A_158 = arith.constant 16 : i32
        %mul3A_159 = arith.muli %scan3A_140, %mul3A_158 : i32
        %swap3A_160 = arith.index_cast %mul3A_159 : i32 to index
        %swap3A_161 = tpu.vector_load %arg9[%swap3A_160] {strides = array<i32>} : memref<4096xf32, #tpu.memory_space<vmem>>, vector<16xf32>,
        tpu.vector_store %arg9[%swap3A_160], %broadcast_in_dim3A_157 {strides = array<i32>} : memref<4096xf32, #tpu.memory_space<vmem>>, vector<16xf32>,
        %add3A_162 = arith.addf %add3A_138, %exp3A_151 : vector<16xf32>
        %scan3A_163 = arith.constant 6 : i32
        %scan3A_164 = arith.addi %scan3A_23, %scan3A_163 : i32
        %mul3A_165 = arith.constant 128 : i32
        %mul3A_166 = arith.muli %scan3A_164, %mul3A_165 : i32
        %mul3A_167 = arith.constant 8 : i32
        %mul3A_168 = vector.broadcast %mul3A_167 : i32 to vector<16xi32>
        %mul3A_169 = arith.muli %iota3A, %mul3A_168 : vector<16xi32>
        %add3A_170 = vector.broadcast %mul3A_166 : i32 to vector<16xi32>
        %add3A_171 = arith.addi %add3A_170, %mul3A_169 : vector<16xi32>
        %add3A_172 = vector.broadcast %arg1 : i32 to vector<16xi32>
        %add3A_173 = arith.addi %add3A_171, %add3A_172 : vector<16xi32>
        %gather3A_174 = tpu.vector_load_idx %arg5[%add3A_173] : memref<32768xf32, #tpu.memory_space<vmem>>[vector<16xi32>], vector<16xf32>,
        %exp3A_175 = math.exp %gather3A_174 : vector<16xf32>
        %mul3A_176 = arith.constant 16 : i32
        %mul3A_177 = arith.muli %scan3A_164, %mul3A_176 : i32
        %swap3A_178 = arith.index_cast %mul3A_177 : i32 to index
        %swap3A_179 = tpu.vector_load %arg6[%swap3A_178] {strides = array<i32>} : memref<4096xf32, #tpu.memory_space<vmem>>, vector<16xf32>,
        tpu.vector_store %arg6[%swap3A_178], %exp3A_175 {strides = array<i32>} : memref<4096xf32, #tpu.memory_space<vmem>>, vector<16xf32>,
        %broadcast_in_dim3A_180 = arith.constant 0.000000e+00 : f32
        %broadcast_in_dim3A_181 = vector.broadcast %broadcast_in_dim3A_180 : f32 to vector<16xf32>
        %mul3A_182 = arith.constant 16 : i32
        %mul3A_183 = arith.muli %scan3A_164, %mul3A_182 : i32
        %swap3A_184 = arith.index_cast %mul3A_183 : i32 to index
        %swap3A_185 = tpu.vector_load %arg9[%swap3A_184] {strides = array<i32>} : memref<4096xf32, #tpu.memory_space<vmem>>, vector<16xf32>,
        tpu.vector_store %arg9[%swap3A_184], %broadcast_in_dim3A_181 {strides = array<i32>} : memref<4096xf32, #tpu.memory_space<vmem>>, vector<16xf32>,
        %add3A_186 = arith.addf %add3A_162, %exp3A_175 : vector<16xf32>
        %scan3A_187 = arith.constant 7 : i32
        %scan3A_188 = arith.addi %scan3A_23, %scan3A_187 : i32
        %mul3A_189 = arith.constant 128 : i32
        %mul3A_190 = arith.muli %scan3A_188, %mul3A_189 : i32
        %mul3A_191 = arith.constant 8 : i32
        %mul3A_192 = vector.broadcast %mul3A_191 : i32 to vector<16xi32>
        %mul3A_193 = arith.muli %iota3A, %mul3A_192 : vector<16xi32>
        %add3A_194 = vector.broadcast %mul3A_190 : i32 to vector<16xi32>
        %add3A_195 = arith.addi %add3A_194, %mul3A_193 : vector<16xi32>
        %add3A_196 = vector.broadcast %arg1 : i32 to vector<16xi32>
        %add3A_197 = arith.addi %add3A_195, %add3A_196 : vector<16xi32>
        %gather3A_198 = tpu.vector_load_idx %arg5[%add3A_197] : memref<32768xf32, #tpu.memory_space<vmem>>[vector<16xi32>], vector<16xf32>,
        %exp3A_199 = math.exp %gather3A_198 : vector<16xf32>
        %mul3A_200 = arith.constant 16 : i32
        %mul3A_201 = arith.muli %scan3A_188, %mul3A_200 : i32
        %swap3A_202 = arith.index_cast %mul3A_201 : i32 to index
        %swap3A_203 = tpu.vector_load %arg6[%swap3A_202] {strides = array<i32>} : memref<4096xf32, #tpu.memory_space<vmem>>, vector<16xf32>,
        tpu.vector_store %arg6[%swap3A_202], %exp3A_199 {strides = array<i32>} : memref<4096xf32, #tpu.memory_space<vmem>>, vector<16xf32>,
        %broadcast_in_dim3A_204 = arith.constant 0.000000e+00 : f32
        %broadcast_in_dim3A_205 = vector.broadcast %broadcast_in_dim3A_204 : f32 to vector<16xf32>
        %mul3A_206 = arith.constant 16 : i32
        %mul3A_207 = arith.muli %scan3A_188, %mul3A_206 : i32
        %swap3A_208 = arith.index_cast %mul3A_207 : i32 to index
        %swap3A_209 = tpu.vector_load %arg9[%swap3A_208] {strides = array<i32>} : memref<4096xf32, #tpu.memory_space<vmem>>, vector<16xf32>,
        tpu.vector_store %arg9[%swap3A_208], %broadcast_in_dim3A_205 {strides = array<i32>} : memref<4096xf32, #tpu.memory_space<vmem>>, vector<16xf32>,
        %add3A_210 = arith.addf %add3A_186, %exp3A_199 : vector<16xf32>
        scf.yield %add3A_210 : vector<16xf32>
      }
      %scan3A_8 = arith.constant 256 : i32
      %broadcast_in_dim3A_9 = arith.constant 0.000000e+00 : f32
      %broadcast_in_dim3A_10 = vector.broadcast %broadcast_in_dim3A_9 : f32 to vector<16xf32>
      %reduce_sum3A = arith.constant true
      %reduce_sum3A_11 = vector.broadcast %reduce_sum3A : i1 to vector<16xi1>
      %reduce_sum3A_12 = tpu.scan <sum>, %scan3A_7 masked %reduce_sum3A_11 : vector<16xf32>, vector<16xi1> -> vector<16xf32>
      %reduce_sum3A_13 = vector.extract %reduce_sum3A_12[15] : f32 from vector<16xf32>
      %add3A = vector.broadcast %reduce_sum3A_13 : f32 to vector<16xf32>
      %add3A_14 = arith.addf %broadcast_in_dim3A_10, %add3A : vector<16xf32>
      %div3A = arith.constant 1.000000e-01 : f32
      %div3A_15 = vector.broadcast %div3A : f32 to vector<16xf32>
      %div3A_16 = arith.divf %div3A_15, %add3A_14 : vector<16xf32>
      %scan3A_17 = arith.constant 0 : i32
      %scan3A_18 = arith.constant 0 : i32
      %scan3A_19 = arith.constant 256 : i32
      %scan3A_20 = arith.addi %scan3A_18, %scan3A_19 : i32
      %scan3A_21 = arith.constant 8 : i32
      scf.for %scan3A_23 = %scan3A_18 to %scan3A_20 step %scan3A_21  : i32 {
        %mul3A = arith.constant 16 : i32
        %mul3A_24 = arith.muli %scan3A_23, %mul3A : i32
        %get3A = arith.index_cast %mul3A_24 : i32 to index
        %get3A_25 = tpu.vector_load %arg7[%get3A] {strides = array<i32>} : memref<4096xi32, #tpu.memory_space<vmem>>, vector<16xi32>,
        %mul3A_26 = arith.constant 16 : i32
        %mul3A_27 = arith.muli %scan3A_23, %mul3A_26 : i32
        %get3A_28 = arith.index_cast %mul3A_27 : i32 to index
        %get3A_29 = tpu.vector_load %arg8[%get3A_28] {strides = array<i32>} : memref<4096xi32, #tpu.memory_space<vmem>>, vector<16xi32>,
        %gather3A = tpu.vector_load_idx %arg6[%get3A_25] : memref<4096xf32, #tpu.memory_space<vmem>>[vector<16xi32>], vector<16xf32>,
        %mul3A_30 = arith.mulf %gather3A, %div3A_16 : vector<16xf32>
        %add3A_31 = arith.constant 1 : i32
        %add3A_32 = vector.broadcast %add3A_31 : i32 to vector<16xi32>
        %add3A_33 = arith.addi %get3A_25, %add3A_32 : vector<16xi32>
        %ne3A = arith.cmpi ne, %get3A_29, %add3A_33 : vector<16xi32>
        tpu.vector_store_idx %arg9[%get3A_29], %mul3A_30 masked %ne3A {add = true} : memref<4096xf32, #tpu.memory_space<vmem>>[vector<16xi32>], vector<16xf32>, vector<16xi1>
        %scan3A_34 = arith.constant 1 : i32
        %scan3A_35 = arith.addi %scan3A_23, %scan3A_34 : i32
        %mul3A_36 = arith.constant 16 : i32
        %mul3A_37 = arith.muli %scan3A_35, %mul3A_36 : i32
        %get3A_38 = arith.index_cast %mul3A_37 : i32 to index
        %get3A_39 = tpu.vector_load %arg7[%get3A_38] {strides = array<i32>} : memref<4096xi32, #tpu.memory_space<vmem>>, vector<16xi32>,
        %mul3A_40 = arith.constant 16 : i32
        %mul3A_41 = arith.muli %scan3A_35, %mul3A_40 : i32
        %get3A_42 = arith.index_cast %mul3A_41 : i32 to index
        %get3A_43 = tpu.vector_load %arg8[%get3A_42] {strides = array<i32>} : memref<4096xi32, #tpu.memory_space<vmem>>, vector<16xi32>,
        %gather3A_44 = tpu.vector_load_idx %arg6[%get3A_39] : memref<4096xf32, #tpu.memory_space<vmem>>[vector<16xi32>], vector<16xf32>,
        %mul3A_45 = arith.mulf %gather3A_44, %div3A_16 : vector<16xf32>
        %add3A_46 = arith.constant 1 : i32
        %add3A_47 = vector.broadcast %add3A_46 : i32 to vector<16xi32>
        %add3A_48 = arith.addi %get3A_39, %add3A_47 : vector<16xi32>
        %ne3A_49 = arith.cmpi ne, %get3A_43, %add3A_48 : vector<16xi32>
        tpu.vector_store_idx %arg9[%get3A_43], %mul3A_45 masked %ne3A_49 {add = true} : memref<4096xf32, #tpu.memory_space<vmem>>[vector<16xi32>], vector<16xf32>, vector<16xi1>
        %scan3A_50 = arith.constant 2 : i32
        %scan3A_51 = arith.addi %scan3A_23, %scan3A_50 : i32
        %mul3A_52 = arith.constant 16 : i32
        %mul3A_53 = arith.muli %scan3A_51, %mul3A_52 : i32
        %get3A_54 = arith.index_cast %mul3A_53 : i32 to index
        %get3A_55 = tpu.vector_load %arg7[%get3A_54] {strides = array<i32>} : memref<4096xi32, #tpu.memory_space<vmem>>, vector<16xi32>,
        %mul3A_56 = arith.constant 16 : i32
        %mul3A_57 = arith.muli %scan3A_51, %mul3A_56 : i32
        %get3A_58 = arith.index_cast %mul3A_57 : i32 to index
        %get3A_59 = tpu.vector_load %arg8[%get3A_58] {strides = array<i32>} : memref<4096xi32, #tpu.memory_space<vmem>>, vector<16xi32>,
        %gather3A_60 = tpu.vector_load_idx %arg6[%get3A_55] : memref<4096xf32, #tpu.memory_space<vmem>>[vector<16xi32>], vector<16xf32>,
        %mul3A_61 = arith.mulf %gather3A_60, %div3A_16 : vector<16xf32>
        %add3A_62 = arith.constant 1 : i32
        %add3A_63 = vector.broadcast %add3A_62 : i32 to vector<16xi32>
        %add3A_64 = arith.addi %get3A_55, %add3A_63 : vector<16xi32>
        %ne3A_65 = arith.cmpi ne, %get3A_59, %add3A_64 : vector<16xi32>
        tpu.vector_store_idx %arg9[%get3A_59], %mul3A_61 masked %ne3A_65 {add = true} : memref<4096xf32, #tpu.memory_space<vmem>>[vector<16xi32>], vector<16xf32>, vector<16xi1>
        %scan3A_66 = arith.constant 3 : i32
        %scan3A_67 = arith.addi %scan3A_23, %scan3A_66 : i32
        %mul3A_68 = arith.constant 16 : i32
        %mul3A_69 = arith.muli %scan3A_67, %mul3A_68 : i32
        %get3A_70 = arith.index_cast %mul3A_69 : i32 to index
        %get3A_71 = tpu.vector_load %arg7[%get3A_70] {strides = array<i32>} : memref<4096xi32, #tpu.memory_space<vmem>>, vector<16xi32>,
        %mul3A_72 = arith.constant 16 : i32
        %mul3A_73 = arith.muli %scan3A_67, %mul3A_72 : i32
        %get3A_74 = arith.index_cast %mul3A_73 : i32 to index
        %get3A_75 = tpu.vector_load %arg8[%get3A_74] {strides = array<i32>} : memref<4096xi32, #tpu.memory_space<vmem>>, vector<16xi32>,
        %gather3A_76 = tpu.vector_load_idx %arg6[%get3A_71] : memref<4096xf32, #tpu.memory_space<vmem>>[vector<16xi32>], vector<16xf32>,
        %mul3A_77 = arith.mulf %gather3A_76, %div3A_16 : vector<16xf32>
        %add3A_78 = arith.constant 1 : i32
        %add3A_79 = vector.broadcast %add3A_78 : i32 to vector<16xi32>
        %add3A_80 = arith.addi %get3A_71, %add3A_79 : vector<16xi32>
        %ne3A_81 = arith.cmpi ne, %get3A_75, %add3A_80 : vector<16xi32>
        tpu.vector_store_idx %arg9[%get3A_75], %mul3A_77 masked %ne3A_81 {add = true} : memref<4096xf32, #tpu.memory_space<vmem>>[vector<16xi32>], vector<16xf32>, vector<16xi1>
        %scan3A_82 = arith.constant 4 : i32
        %scan3A_83 = arith.addi %scan3A_23, %scan3A_82 : i32
        %mul3A_84 = arith.constant 16 : i32
        %mul3A_85 = arith.muli %scan3A_83, %mul3A_84 : i32
        %get3A_86 = arith.index_cast %mul3A_85 : i32 to index
        %get3A_87 = tpu.vector_load %arg7[%get3A_86] {strides = array<i32>} : memref<4096xi32, #tpu.memory_space<vmem>>, vector<16xi32>,
        %mul3A_88 = arith.constant 16 : i32
        %mul3A_89 = arith.muli %scan3A_83, %mul3A_88 : i32
        %get3A_90 = arith.index_cast %mul3A_89 : i32 to index
        %get3A_91 = tpu.vector_load %arg8[%get3A_90] {strides = array<i32>} : memref<4096xi32, #tpu.memory_space<vmem>>, vector<16xi32>,
        %gather3A_92 = tpu.vector_load_idx %arg6[%get3A_87] : memref<4096xf32, #tpu.memory_space<vmem>>[vector<16xi32>], vector<16xf32>,
        %mul3A_93 = arith.mulf %gather3A_92, %div3A_16 : vector<16xf32>
        %add3A_94 = arith.constant 1 : i32
        %add3A_95 = vector.broadcast %add3A_94 : i32 to vector<16xi32>
        %add3A_96 = arith.addi %get3A_87, %add3A_95 : vector<16xi32>
        %ne3A_97 = arith.cmpi ne, %get3A_91, %add3A_96 : vector<16xi32>
        tpu.vector_store_idx %arg9[%get3A_91], %mul3A_93 masked %ne3A_97 {add = true} : memref<4096xf32, #tpu.memory_space<vmem>>[vector<16xi32>], vector<16xf32>, vector<16xi1>
        %scan3A_98 = arith.constant 5 : i32
        %scan3A_99 = arith.addi %scan3A_23, %scan3A_98 : i32
        %mul3A_100 = arith.constant 16 : i32
        %mul3A_101 = arith.muli %scan3A_99, %mul3A_100 : i32
        %get3A_102 = arith.index_cast %mul3A_101 : i32 to index
        %get3A_103 = tpu.vector_load %arg7[%get3A_102] {strides = array<i32>} : memref<4096xi32, #tpu.memory_space<vmem>>, vector<16xi32>,
        %mul3A_104 = arith.constant 16 : i32
        %mul3A_105 = arith.muli %scan3A_99, %mul3A_104 : i32
        %get3A_106 = arith.index_cast %mul3A_105 : i32 to index
        %get3A_107 = tpu.vector_load %arg8[%get3A_106] {strides = array<i32>} : memref<4096xi32, #tpu.memory_space<vmem>>, vector<16xi32>,
        %gather3A_108 = tpu.vector_load_idx %arg6[%get3A_103] : memref<4096xf32, #tpu.memory_space<vmem>>[vector<16xi32>], vector<16xf32>,
        %mul3A_109 = arith.mulf %gather3A_108, %div3A_16 : vector<16xf32>
        %add3A_110 = arith.constant 1 : i32
        %add3A_111 = vector.broadcast %add3A_110 : i32 to vector<16xi32>
        %add3A_112 = arith.addi %get3A_103, %add3A_111 : vector<16xi32>
        %ne3A_113 = arith.cmpi ne, %get3A_107, %add3A_112 : vector<16xi32>
        tpu.vector_store_idx %arg9[%get3A_107], %mul3A_109 masked %ne3A_113 {add = true} : memref<4096xf32, #tpu.memory_space<vmem>>[vector<16xi32>], vector<16xf32>, vector<16xi1>
        %scan3A_114 = arith.constant 6 : i32
        %scan3A_115 = arith.addi %scan3A_23, %scan3A_114 : i32
        %mul3A_116 = arith.constant 16 : i32
        %mul3A_117 = arith.muli %scan3A_115, %mul3A_116 : i32
        %get3A_118 = arith.index_cast %mul3A_117 : i32 to index
        %get3A_119 = tpu.vector_load %arg7[%get3A_118] {strides = array<i32>} : memref<4096xi32, #tpu.memory_space<vmem>>, vector<16xi32>,
        %mul3A_120 = arith.constant 16 : i32
        %mul3A_121 = arith.muli %scan3A_115, %mul3A_120 : i32
        %get3A_122 = arith.index_cast %mul3A_121 : i32 to index
        %get3A_123 = tpu.vector_load %arg8[%get3A_122] {strides = array<i32>} : memref<4096xi32, #tpu.memory_space<vmem>>, vector<16xi32>,
        %gather3A_124 = tpu.vector_load_idx %arg6[%get3A_119] : memref<4096xf32, #tpu.memory_space<vmem>>[vector<16xi32>], vector<16xf32>,
        %mul3A_125 = arith.mulf %gather3A_124, %div3A_16 : vector<16xf32>
        %add3A_126 = arith.constant 1 : i32
        %add3A_127 = vector.broadcast %add3A_126 : i32 to vector<16xi32>
        %add3A_128 = arith.addi %get3A_119, %add3A_127 : vector<16xi32>
        %ne3A_129 = arith.cmpi ne, %get3A_123, %add3A_128 : vector<16xi32>
        tpu.vector_store_idx %arg9[%get3A_123], %mul3A_125 masked %ne3A_129 {add = true} : memref<4096xf32, #tpu.memory_space<vmem>>[vector<16xi32>], vector<16xf32>, vector<16xi1>
        %scan3A_130 = arith.constant 7 : i32
        %scan3A_131 = arith.addi %scan3A_23, %scan3A_130 : i32
        %mul3A_132 = arith.constant 16 : i32
        %mul3A_133 = arith.muli %scan3A_131, %mul3A_132 : i32
        %get3A_134 = arith.index_cast %mul3A_133 : i32 to index
        %get3A_135 = tpu.vector_load %arg7[%get3A_134] {strides = array<i32>} : memref<4096xi32, #tpu.memory_space<vmem>>, vector<16xi32>,
        %mul3A_136 = arith.constant 16 : i32
        %mul3A_137 = arith.muli %scan3A_131, %mul3A_136 : i32
        %get3A_138 = arith.index_cast %mul3A_137 : i32 to index
        %get3A_139 = tpu.vector_load %arg8[%get3A_138] {strides = array<i32>} : memref<4096xi32, #tpu.memory_space<vmem>>, vector<16xi32>,
        %gather3A_140 = tpu.vector_load_idx %arg6[%get3A_135] : memref<4096xf32, #tpu.memory_space<vmem>>[vector<16xi32>], vector<16xf32>,
        %mul3A_141 = arith.mulf %gather3A_140, %div3A_16 : vector<16xf32>
        %add3A_142 = arith.constant 1 : i32
        %add3A_143 = vector.broadcast %add3A_142 : i32 to vector<16xi32>
        %add3A_144 = arith.addi %get3A_135, %add3A_143 : vector<16xi32>
        %ne3A_145 = arith.cmpi ne, %get3A_139, %add3A_144 : vector<16xi32>
        tpu.vector_store_idx %arg9[%get3A_139], %mul3A_141 masked %ne3A_145 {add = true} : memref<4096xf32, #tpu.memory_space<vmem>>[vector<16xi32>], vector<16xf32>, vector<16xi1>
      }
      %scan3A_22 = arith.constant 256 : i32
      "tpu.region"() ({
        %run_scoped3A_23 = tpu.sem_alloc : memref<!tpu.dma_semaphore, #tpu.memory_space<semaphore_mem>>
        %dma_start3A = arith.constant 0 : i32
        %dma_start3A_24 = tpu.memref_slice %arg4[%arg1, %dma_start3A] : memref<8x4096xf32, #tpu.memory_space<hbm>> -> memref<1x4096xf32, #tpu.memory_space<hbm>>
        %dma_start3A_25 = tpu.memref_squeeze %dma_start3A_24 : memref<1x4096xf32, #tpu.memory_space<hbm>> -> memref<4096xf32, #tpu.memory_space<hbm>>
        %dma_start3A_26 = arith.constant 0 : i32
        %dma_start3A_27 = tpu.memref_slice %arg4[%arg1, %dma_start3A_26] : memref<8x4096xf32, #tpu.memory_space<hbm>> -> memref<1x4096xf32, #tpu.memory_space<hbm>>
        %dma_start3A_28 = tpu.memref_squeeze %dma_start3A_27 : memref<1x4096xf32, #tpu.memory_space<hbm>> -> memref<4096xf32, #tpu.memory_space<hbm>>
        tpu.enqueue_dma source(%arg9 : memref<4096xf32, #tpu.memory_space<vmem>>) target(%dma_start3A_28 : memref<4096xf32, #tpu.memory_space<hbm>>) target_semaphore(%run_scoped3A_23 : memref<!tpu.dma_semaphore, #tpu.memory_space<semaphore_mem>>)
        %dma_wait3A = arith.constant 0 : i32
        %dma_wait3A_29 = tpu.memref_slice %arg4[%arg1, %dma_wait3A] : memref<8x4096xf32, #tpu.memory_space<hbm>> -> memref<1x4096xf32, #tpu.memory_space<hbm>>
        %dma_wait3A_30 = tpu.memref_squeeze %dma_wait3A_29 : memref<1x4096xf32, #tpu.memory_space<hbm>> -> memref<4096xf32, #tpu.memory_space<hbm>>
        %dma_wait3A_31 = arith.constant 0 : i32
        %dma_wait3A_32 = tpu.memref_slice %arg4[%arg1, %dma_wait3A_31] : memref<8x4096xf32, #tpu.memory_space<hbm>> -> memref<1x4096xf32, #tpu.memory_space<hbm>>
        %dma_wait3A_33 = tpu.memref_squeeze %dma_wait3A_32 : memref<1x4096xf32, #tpu.memory_space<hbm>> -> memref<4096xf32, #tpu.memory_space<hbm>>
        tpu.wait_dma2 semaphore(%run_scoped3A_23 : memref<!tpu.dma_semaphore, #tpu.memory_space<semaphore_mem>>) src(%arg9 : memref<4096xf32, #tpu.memory_space<vmem>>) dst(%dma_wait3A_33 : memref<4096xf32, #tpu.memory_space<hbm>>)
        tpu.yield
      }) : () -> ()
    } else {
    }
    return
  }
}

module attributes {stable_mosaic.version = 14 : i64} {
  func.func @_scores_body(%arg0: i32, %arg1: memref<1024x8x128xf32, #tpu.memory_space<vmem>>, %arg2: memref<8x128xf32, #tpu.memory_space<vmem>>, %arg3: memref<256x256xf32, #tpu.memory_space<vmem>>, %arg4: memref<1x256xf32, #tpu.memory_space<vmem>>, %arg5: memref<1x256xf32, #tpu.memory_space<vmem>>, %arg6: memref<1x1x8192xf32, #tpu.memory_space<vmem>>) attributes {dimension_semantics = [#tpu.dimension_semantics<arbitrary>], iteration_bounds = array<i64: 4>, scalar_prefetch = 0 : i64, scratch_operands = 0 : i64, tpu.core_type = #tpu.core_type<tc>, window_params = [{transform_indices = @transform_0, window_bounds = array<i64: 1024, 8, 128>}, {pipeline_mode = #tpu.pipeline_mode<synchronous>, transform_indices = @transform_1, window_bounds = array<i64: 8, 128>}, {pipeline_mode = #tpu.pipeline_mode<synchronous>, transform_indices = @transform_2, window_bounds = array<i64: 256, 256>}, {pipeline_mode = #tpu.pipeline_mode<synchronous>, transform_indices = @transform_3, window_bounds = array<i64: 1, 256>}, {pipeline_mode = #tpu.pipeline_mode<synchronous>, transform_indices = @transform_4, window_bounds = array<i64: 1, 256>}, {transform_indices = @transform_5, window_bounds = array<i64: 1, 1, 8192>}]} {
    %get3A = arith.constant 0 : index
    %get3A_0 = arith.constant 0 : index
    %get3A_1 = vector.load %arg3[%get3A, %get3A_0] : memref<256x256xf32, #tpu.memory_space<vmem>>, vector<256x128xf32>
    %get3A_2 = arith.constant 0 : index
    %get3A_3 = arith.constant 128 : index
    %get3A_4 = vector.load %arg3[%get3A_2, %get3A_3] : memref<256x256xf32, #tpu.memory_space<vmem>>, vector<256x128xf32>
    %get3A_5 = arith.constant 0 : index
    %get3A_6 = arith.constant 0 : index
    %get3A_7 = vector.load %arg2[%get3A_5, %get3A_6] : memref<8x128xf32, #tpu.memory_space<vmem>>, vector<8x128xf32>
    %dot_general3A = arith.constant dense<0.000000e+00> : vector<8x256xf32>
    %dot_general3A_8 = tpu.matmul %get3A_7, %get3A_1, %dot_general3A {dimension_numbers = #tpu.dot_dimension_numbers<[1], [1], [0], [0], [0, 0, 1, 0], [], []>, transpose_lhs_hint = false} : vector<8x128xf32>, vector<256x128xf32>, vector<8x256xf32> -> vector<8x256xf32>
    %get3A_9 = arith.constant 0 : index
    %get3A_10 = arith.constant 0 : index
    %get3A_11 = vector.load %arg4[%get3A_9, %get3A_10] : memref<1x256xf32, #tpu.memory_space<vmem>>, vector<1x256xf32>
    %add3A = vector.broadcast %get3A_11 : vector<1x256xf32> to vector<8x256xf32>
    %add3A_12 = arith.addf %dot_general3A_8, %add3A : vector<8x256xf32>
    %get3A_13 = arith.constant 0 : index
    %get3A_14 = arith.constant 0 : index
    %get3A_15 = arith.constant 0 : index
    %get3A_16 = vector.load %arg1[%get3A_13, %get3A_14, %get3A_15] : memref<1024x8x128xf32, #tpu.memory_space<vmem>>, vector<1024x8x128xf32>
    %reshape3A = vector.shape_cast %get3A_16 : vector<1024x8x128xf32> to vector<8192x128xf32>
    %convert_element_type3A = arith.truncf %reshape3A : vector<8192x128xf32> to vector<8192x128xbf16>
    %convert_element_type3A_17 = arith.truncf %get3A_4 : vector<256x128xf32> to vector<256x128xbf16>
    %dot_general3A_18 = arith.constant dense<0.000000e+00> : vector<8192x256xf32>
    %dot_general3A_19 = tpu.matmul %convert_element_type3A, %convert_element_type3A_17, %dot_general3A_18 {dimension_numbers = #tpu.dot_dimension_numbers<[1], [1], [0], [0], [0, 0, 1, 0], [], []>, transpose_lhs_hint = false} : vector<8192x128xbf16>, vector<256x128xbf16>, vector<8192x256xf32> -> vector<8192x256xf32>
    %broadcast_in_dim3A = vector.shape_cast %add3A_12 : vector<8x256xf32> to vector<1x8x256xf32>
    %broadcast_in_dim3A_20 = vector.shape_cast %broadcast_in_dim3A : vector<1x8x256xf32> to vector<1x8x256xf32>
    %broadcast_in_dim3A_21 = vector.broadcast %broadcast_in_dim3A_20 : vector<1x8x256xf32> to vector<1024x8x256xf32>
    %reshape3A_22 = vector.shape_cast %broadcast_in_dim3A_21 : vector<1024x8x256xf32> to vector<8192x256xf32>
    %add3A_23 = arith.addf %dot_general3A_19, %reshape3A_22 : vector<8192x256xf32>
    %tanh3A = math.tanh %add3A_23 : vector<8192x256xf32>
    %get3A_24 = arith.constant 0 : index
    %get3A_25 = arith.constant 0 : index
    %get3A_26 = vector.load %arg5[%get3A_24, %get3A_25] : memref<1x256xf32, #tpu.memory_space<vmem>>, vector<1x256xf32>
    %dot_general3A_27 = arith.constant dense<0.000000e+00> : vector<1x8192xf32>
    %dot_general3A_28 = tpu.matmul %get3A_26, %tanh3A, %dot_general3A_27 {dimension_numbers = #tpu.dot_dimension_numbers<[1], [1], [0], [0], [0, 0, 1, 0], [], []>, transpose_lhs_hint = false} : vector<1x256xf32>, vector<8192x256xf32>, vector<1x8192xf32> -> vector<1x8192xf32>
    %reshape3A_29 = vector.shape_cast %dot_general3A_28 : vector<1x8192xf32> to vector<1x1x8192xf32>
    %swap3A = arith.constant 0 : index
    %swap3A_30 = arith.constant 0 : index
    %swap3A_31 = arith.constant 0 : index
    %swap3A_32 = vector.load %arg6[%swap3A, %swap3A_30, %swap3A_31] : memref<1x1x8192xf32, #tpu.memory_space<vmem>>, vector<1x1x8192xf32>
    tpu.vector_store %arg6[%swap3A, %swap3A_30, %swap3A_31], %reshape3A_29 {strides = array<i32>} : memref<1x1x8192xf32, #tpu.memory_space<vmem>>, vector<1x1x8192xf32>,
    return
  }
  func.func @transform_0(%arg0: i32) -> (i32, i32, i32) {
    %c0_i32 = arith.constant 0 : i32
    %c0_i32_0 = arith.constant 0 : i32
    %c0_i32_1 = arith.constant 0 : i32
    return %arg0, %c0_i32, %c0_i32_0 : i32, i32, i32
  }
  func.func @transform_1(%arg0: i32) -> (i32, i32) {
    %c0_i32 = arith.constant 0 : i32
    %c0_i32_0 = arith.constant 0 : i32
    %c0_i32_1 = arith.constant 0 : i32
    return %c0_i32, %c0_i32_0 : i32, i32
  }
  func.func @transform_2(%arg0: i32) -> (i32, i32) {
    %c0_i32 = arith.constant 0 : i32
    %c0_i32_0 = arith.constant 0 : i32
    %c0_i32_1 = arith.constant 0 : i32
    return %c0_i32, %c0_i32_0 : i32, i32
  }
  func.func @transform_3(%arg0: i32) -> (i32, i32) {
    %c0_i32 = arith.constant 0 : i32
    %c0_i32_0 = arith.constant 0 : i32
    %c0_i32_1 = arith.constant 0 : i32
    return %c0_i32, %c0_i32_0 : i32, i32
  }
  func.func @transform_4(%arg0: i32) -> (i32, i32) {
    %c0_i32 = arith.constant 0 : i32
    %c0_i32_0 = arith.constant 0 : i32
    %c0_i32_1 = arith.constant 0 : i32
    return %c0_i32, %c0_i32_0 : i32, i32
  }
  func.func @transform_5(%arg0: i32) -> (i32, i32, i32) {
    %c0_i32 = arith.constant 0 : i32
    %c0_i32_0 = arith.constant 0 : i32
    %c0_i32_1 = arith.constant 0 : i32
    return %arg0, %c0_i32, %c0_i32_0 : i32, i32, i32
  }
}

</mosaic_0001>

<sc_bundles>
// kernel: kernel.4.cloned.1.call-start
scs
__scs_entry_jumppad:
0x0: {  	(pc) =	sbr.rel $0x88, $3  }
0x1: {  	(tag) =	ssettag $0x0;
	lr =	simm.s32 $0x1  }
0x2: {  	[smem:$0x3F9B] =	sst lr;
	_ =	strace $0xD0000000  }
0x3: {  	_ = 	snop  }
0x4: {  	_ = 	snop  }
0x5: {  	_ = 	snop  }
0x6: {  	_ = 	snop  }
0x7: {  	_ = 	snop  }
__scs_overlays_trampoline_lowered:
0x8: {  	[smem:$0x3FAA] =	sst s0  }
0x9: {  	[smem:$0x3FAB] =	sst s1  }
0xa: {  	[smem:$0x3FAC] =	sst s2  }
0xb: {  	[smem:$0x3FAD] =	sst s3  }
0xc: {  	[smem:$0x3FAE] =	sst s4  }
0xd: {  	[smem:$0x3FAF] =	sst s5  }
0xe: {  	[smem:$0x3FB0] =	sst s6  }
0xf: {  	[smem:$0x3FB1] =	sst s7  }
0x10: {  	[smem:$0x3FB2] =	sst s8  }
0x11: {  	[smem:$0x3FB3] =	sst s9;
	s0 =	simm.s32 @!p0 $0x0  }
0x12: {  	s1 =	sld [smem:$0x3F99];
	s0 =	simm.s32 @p0 $0x1  }
0x13: {  	[smem:$0x3FB4] =	sst s0;
	s0 =	simm.s32 @!p1 $0x0  }
0x14: {  	s2 =	sld [smem:$0x3F98];
	s0 =	simm.s32 @p1 $0x1  }
0x15: {  	[smem:$0x3FB5] =	sst s0;
	s0 =	simm.s32 @!p2 $0x0  }
0x16: {  	s3 =	sld [smem:$0x3FDB];
	s0 =	simm.s32 @p2 $0x1  }
0x17: {  	s4 =	simm.s32 $0x1BF5;
	[smem:$0x3FB7] =	sst s0  }
0x18: {  	s0 =	sld [smem:$0x3F9A];
	_ =	swait.ge [sflag:s4], $0x0  }
0x19: {  	s7 =	sld [smem:$0x3F9B]  }
0x1a: {  	s8 =	sadd.s32 $0xFFFFE003, lr  }
0x1b: {  	s9 =	sadd.s32 $0xFFFFFEF7, lr;
	s5 =	simm.s32 $0xFFFFFFFF;
	p2 =	slt.u32 s8, $0xFFFFF086  }
0x1c: {  	p1 =	slt.u32 s9, $0xF7A;
	s5 =	simm.s32 @!p2 $0x0  }
0x1d: {  	s5 =	simm.s32 @p1 $0x1;
	p0 =	seq.s32 s7, s2  }
0x1e: {  	s7 =	smul.u32 @!p0 $0xF7A, s2;
	p2 =	seq.s32 @!p0 s5, $0x0  }
0x1f: {  	s9 =	smul.u32 $0xF7A, s1;
	s8 =	simm.s32 @!p0 $0x1BF5;
	p2 =	por !p2, p0  }
0x20: {  	[sflag:s8] =	ssyncset.s32 @!p0 $0xFFFFF086;
	s6 =	sadd.s32 @!p0 s3, s7;
	s7 =	simm.s32 @!p0 $0x108  }
0x21: {  	s3 =	sadd.s32 s3, s9;
	s6 =	sadd.s32 @!p0 $0x88, s6;
	s7 =	simm.s32 @p2 $0x1082  }
0x22: {  	[simem:s7], [sflag:s8] =	dma.local @!p0 [hbm:s6], $0xF7A  }
0x23: {  	s9 =	sor.u32 $0xD0000000, s2;
	s6 =	simm.s32 $0x108;
	_ =	swait.ge @!p0 [sflag:s8], $0x0  }
0x24: {  	s3 =	sadd.s32 $0x88, s3;
	s6 =	simm.s32 @!p1 $0x1082;
	[sflag:s4] =	ssyncset.s32 $0xFFFFF086  }
0x25: {  	[simem:s6], [sflag:s4] =	dma.local [hbm:s3], $0xF7A  }
0x26: {  	[smem:$0x3F9B] =	sst s1;
	(tag) =	ssettag s2;
	_ =	strace s9  }
0x27: {  	s1 =	sld [smem:$0x3FAB]  }
0x28: {  	s2 =	sld [smem:$0x3FAC]  }
0x29: {  	s4 =	sld [smem:$0x3FAE]  }
0x2a: {  	p0 =	seq.s32 s5, $0x0;
	s5 =	sld [smem:$0x3FAF]  }
0x2b: {  	s6 =	sld [smem:$0x3FB0]  }
0x2c: {  	s7 =	sld [smem:$0x3FB1]  }
0x2d: {  	s3 =	simm.s32 $0x108;
	s8 =	sld [smem:$0x3FB2]  }
0x2e: {  	s3 =	simm.s32 @!p0 $0x1082;
	s9 =	sld [smem:$0x3FB3]  }
0x2f: {  	lr =	sadd.s32 s0, s3;
	s0 =	sld [smem:$0x3FAA]  }
0x30: {  	s3 =	sld [smem:$0x3FAD]  }
0x31: {  	[smem:$0x3FB6] =	sst s10  }
0x32: {  	s10 =	sld [smem:$0x3FB4];
	_ =	sdelay $0x3  }
0x33: {  	p0 =	seq.s32 s10, $0x1;
	s10 =	sld [smem:$0x3FB6];
	_ =	sdelay $0x3  }
0x34: {  	[smem:$0x3FB6] =	sst s10  }
0x35: {  	s10 =	sld [smem:$0x3FB5];
	_ =	sdelay $0x3  }
0x36: {  	p1 =	seq.s32 s10, $0x1;
	s10 =	sld [smem:$0x3FB6];
	_ =	sdelay $0x3  }
0x37: {  	[smem:$0x3FB6] =	sst s10  }
0x38: {  	s10 =	sld [smem:$0x3FB7]  }
0x39: {  	_ = 	snop;
	(pc) =	sbr.ind lr, $3  }
0x3a: {  	_ = 	snop  }
0x3b: {  	_ = 	snop  }
0x3c: {  	p2 =	seq.s32 s10, $0x1;
	s10 =	sld [smem:$0x3FB6]  }
0x3d: {  	_ =	shalt  }
0x3e: {  	_ =	shalt  }
0x3f: {  	_ =	shalt  }
0x40: {  	_ =	shalt  }
0x41: {  	_ =	shalt  }
0x42: {  	_ =	shalt  }
0x43: {  	_ =	shalt  }
0x44: {  	_ =	shalt  }
0x45: {  	_ =	shalt  }
0x46: {  	_ =	shalt  }
0x47: {  	_ =	shalt  }
0x48: {  	_ =	shalt  }
0x49: {  	_ =	shalt  }
0x4a: {  	_ =	shalt  }
0x4b: {  	_ =	shalt  }
0x4c: {  	_ =	shalt  }
0x4d: {  	_ =	shalt  }
0x4e: {  	_ =	shalt  }
0x4f: {  	_ =	shalt  }
0x50: {  	_ =	shalt  }
0x51: {  	_ =	shalt  }
0x52: {  	_ =	shalt  }
0x53: {  	_ =	shalt  }
0x54: {  	_ =	shalt  }
0x55: {  	_ =	shalt  }
0x56: {  	_ =	shalt  }
0x57: {  	_ =	shalt  }
0x58: {  	_ =	shalt  }
0x59: {  	_ =	shalt  }
0x5a: {  	_ =	shalt  }
0x5b: {  	_ =	shalt  }
0x5c: {  	_ =	shalt  }
0x5d: {  	_ =	shalt  }
0x5e: {  	_ =	shalt  }
0x5f: {  	_ =	shalt  }
0x60: {  	_ =	shalt  }
0x61: {  	_ =	shalt  }
0x62: {  	_ =	shalt  }
0x63: {  	_ =	shalt  }
0x64: {  	_ =	shalt  }
0x65: {  	_ =	shalt  }
0x66: {  	_ =	shalt  }
0x67: {  	_ =	shalt  }
0x68: {  	_ =	shalt  }
0x69: {  	_ =	shalt  }
0x6a: {  	_ =	shalt  }
0x6b: {  	_ =	shalt  }
0x6c: {  	_ =	shalt  }
0x6d: {  	_ =	shalt  }
0x6e: {  	_ =	shalt  }
0x6f: {  	_ =	shalt  }
0x70: {  	_ =	shalt  }
0x71: {  	_ =	shalt  }
0x72: {  	_ =	shalt  }
0x73: {  	_ =	shalt  }
0x74: {  	_ =	shalt  }
0x75: {  	_ =	shalt  }
0x76: {  	_ =	shalt  }
0x77: {  	_ =	shalt  }
0x78: {  	_ =	shalt  }
0x79: {  	_ =	shalt  }
0x7a: {  	_ =	shalt  }
0x7b: {  	_ =	shalt  }
0x7c: {  	_ =	shalt  }
0x7d: {  	_ =	shalt  }
0x7e: {  	_ =	shalt  }
0x7f: {  	_ =	shalt  }
0x80: {  	_ =	shalt  }
0x81: {  	_ =	shalt  }
0x82: {  	_ =	shalt  }
0x83: {  	_ =	shalt  }
0x84: {  	_ =	shalt  }
0x85: {  	_ =	shalt  }
0x86: {  	_ =	shalt  }
0x87: {  	_ =	shalt  }
.Lfunc_end0:
.L_simem_size_0:
called_computation_lowered:
.L_overlay_start_0:
0x88: {  	s0 =	sld [smem:$0x3FD9]  }
0x89: {  	s1 =	sld [smem:$0x3FFE];
	_ =	sdelay $0x3  }
0x8a: {  	s0 =	sadd.s32 s1, s0  }
0x8b: {  	[smem:$0x3FC2] =	sst s0  }
0x8c: {  	_ = 	snop  }
0x8d: {  	s0 =	sld [smem:$0x3FC7]  }
0x8e: {  	s16 =	sld [smem:$0x3FD0];
	(tm) =	ssettm $0x1  }
0x8f: {  	s2 =	sld [smem:$0x3FFB];
	_ =	sdelay $0x3  }
0x90: {  	_ =	strace s2  }
0x91: {  	s2 =	sld [smem:$0x3FFC];
	_ =	sdelay $0x3  }
0x92: {  	_ =	strace s2  }
0x93: {  	s2 =	sld [smem:$0x3FFD];
	_ =	sdelay $0x3  }
0x94: {  	_ =	strace s2  }
0x95: {  	_ =	strace $0x8FFFFFFF  }
0x96: {  	s17 =	sld [smem:$0x3FDB];
	_ =	sdelay $0x1  }
0x97: {  	s3 =	simm.s32 $_scs_section_size  }
0x98: {  	s4 =	simm.s32 $_size__tile_overlayer_lowered;
	s5 =	simm.s32 $_tile_overlayer_lowered  }
0x99: {  	s20 =	simm.s32 $0x1BFF;
	s19 =	sshll.u32 s5, $0x1;
	s2 =	sadd.s32 s3, s17  }
0x9a: {  	s6 =	simm.s32 $0x0;
	s18 =	sshll.u32 s4, $0x1;
	s4 =	sadd.s32 s19, s2  }
0x9b: {  	[timem:s6], [sflag:s20] =	dma.local [hbm:s4], s18  }
0x9c: {  	_ =	swait.ge [sflag:s20], s18  }
0x9d: {  	s3 =	ssub.s32 $0x0, s18;
	[sflag:s20] =	ssyncset.done $0x0  }
0x9e: {  	[sflag:s20] =	ssyncadd.s32 s3;
	_ =	sdelay $0x1  }
0x9f: {  	s21 =	simm.s32 $0x1B8B  }
0xa0: {  	_ =	swait.ge [sflag:s21], $0x1  }
0xa1: {  	[sflag:s21] =	ssyncset.done $0x0  }
0xa2: {  	s23 =	simm.s32 $0x1B8E;
	s22 =	sld [smem:$0x3FFE];
	[sflag:s21] =	ssyncadd.s32 $0xFFFFFFFF  }
0xa3: {  	s24 =	simm.s32 $execute0_lowered;
	[smem:$0x3FD2] =	sst s23  }
0xa4: {  	s4 =	sshll.u32 s24, $0x1;
	_ =	strace $0x80000046;
	[dreg:$0x1] =	wrdreg $0xFFFFFFFF  }
0xa5: {  	s25 =	simm.s32 $_size_execute0_lowered;
	s2 =	sadd.s32 s2, s4;
	[dreg:$0x0] =	wrdreg $0x0  }
0xa6: {  	s4 =	sshll.u32 s25, $0x1;
	[dreg:$0x2] =	wrdreg s2  }
0xa7: {  	[dreg:$0x3] =	wrdreg s4  }
0xa8: {  	[dreg:$0x4] =	wrdreg $0xC0  }
0xa9: {  	_ =	task [dreg:s6], $0x5FFFF  }
0xaa: {  	[dreg:$0x1] =	wrdreg $0xFFFFFFFF  }
0xab: {  	[dreg:$0x0] =	wrdreg $0x60  }
0xac: {  	[dreg:$0x2] =	wrdreg s16  }
0xad: {  	[dreg:$0x3] =	wrdreg s0  }
0xae: {  	[dreg:$0x4] =	wrdreg s22  }
0xaf: {  	[dreg:$0x5] =	wrdreg $0x9  }
0xb0: {  	_ =	task.clear_ibuf [dreg:s6], $0x6FFFF;
	_ =	strace $0x90000046  }
0xb1: {  	s26 =	simm.s32 $0x9;
	_ =	strace $0x80000048  }
0xb2: {  	_ =	swait.ge [sflag:s26], $0x1  }
0xb3: {  	[sflag:s26] =	ssyncadd.s32 $0xFFFFFFFF  }
0xb4: {  	_ =	strace $0x90000048  }
0xb5: {  	_ =	sfence  }
0xb6: {  	s28 =	sld [smem:$0x0];
	_ =	sdelay $0x1  }
0xb7: {  	s29 =	srdreg.scid  }
0xb8: {  	s30 =	sshll.u32 s29, $0xD;
	s31 =	sshrl.u32 s29, $0x2  }
0xb9: {  	s1 =	sand.u32 $0x1, s29;
	s2 =	sand.u32 $0x4000, s30;
	s0 =	sadd.s32 s31, s28  }
0xba: {  	s1 =	sor.u32 s2, s1;
	s0 =	sshll.u32 s0, $0x11  }
0xbb: {  	s0 =	sor.u32 s0, s1  }
0xbc: {  	s0 =	sadd.s32 $0x8F2B, s0  }
0xbd: {  	[sflag:s0] =	ssyncadd.remote.s32 $0x1  }
0xbe: {  	_ =	sfence.sel $0xFFFF  }
0xbf: {  	[dreg:$0x0] =	wrdreg $0xFFFFFFFF;
	(pc) =	sbr.abs _section_cstart, $3  }
0xc0: {  	[dreg:$0x1] =	wrdreg $0xFFFFFFFF  }
0xc1: {  	_ =	task.clear_ibuf [dreg:s6], $0x2FFFF;
	_ =	strace $0x9FFFFFFF  }
0xc2: {  	(tm) =	ssettm $0x7FFFFFFF  }
0xc3: {  	_ =	shalt  }
tec
execute0_lowered:
.L_overlay_start_1:
0x0: {  	(tag) =	ssettag $0x1  }
0x1: {  	s1 =	stileid.u32  }
0x2: {  	p0 =	sgt.u32 s1, $0x7  }
.Ltmp0:
0x3: {  	s5 =	rddreg [dreg:$0x0];
	(pc) =	sbr.rel @p0 .LBB2_6-.Ltmp0, $4  }
0x4: {  	s4 =	rddreg [dreg:$0x1]  }
0x5: {  	s3 =	rddreg [dreg:$0x2];
	s2 =	simm.s32 $0x0  }
0x6: {  	[smem:$0x7FF] =	sst s2  }
0x7: {  	s0 =	rddreg [dreg:$0x3];
	_ =	strace $0x80000047  }
0x8: {  	[tilespmem:s2], [sflag:$0x1] =	stream.linear.gather [hbm4b:s5+s2], $0x8000, $0x38;
	[tilespmem:$0xC000] =	vst v63  }
0x9: {  	s18 =	simm.s32 $0x1  }
0xa: {  	s6 =	sshll.u32 s1, $0xA;
	_ =	swait.ge [sflag:s18], $0x8000  }
0xb: {  	s19 =	simm.s32 $0x80;
	s7 =	simm.s32 $0x100;
	[sflag:s18] =	ssyncset.done $0x0  }
0xc: {  	s8 =	simm.s32 $0x9000;
	s4 =	sadd.s32 s4, s6;
	[sflag:s18] =	ssyncadd.s32 $0xFFFF8000  }
0xd: {  	v0 =	vlaneseq.u32;
	[tilespmem:s8], [sflag:$0x1] =	stream.strided.gather [hbm4b:s4+s19], $0x1000, s7, s19, $0x38;
	[tilespmem:$0xC000] =	vst v63  }
0xe: {  	s20 =	simm.s32 $0x0;
	v1 =	vmul.u32 $0x8, v0;
	_ =	swait.ge [sflag:s18], $0x1000  }
0xf: {  	s8 =	sor.u32 s1, s20;
	[sflag:s18] =	ssyncset.done $0x0  }
0x10: {  	s9 =	simm.s32 $0xA000;
	s4 =	sadd.s32 $0x10, s4;
	v0 =	vor.u32 s8, v1;
	[sflag:s18] =	ssyncadd.s32 $0xFFFFF000  }
0x11: {  	[tilespmem:s9], [sflag:$0x1] =	stream.strided.gather [hbm4b:s4+s19], $0x1000, s7, s19, $0x38;
	[tilespmem:$0xC000] =	vst v63  }
0x12: {  	_ =	swait.ge [sflag:s18], $0x1000  }
0x13: {  	[sflag:s18] =	ssyncset.done $0x0  }
0x14: {  	[sflag:s18] =	ssyncadd.s32 $0xFFFFF000  }
0x15: {  	v0 =	vld.idx.msk [tilespmem:v0+s2+$0x0], $0xffff;
	_ =	sdelay $0x4  }
0x16: {  	v0 =	vmul.f32 $1.442695020e+00, v0;
	_ =	sdelay $0x1  }
0x17: {  	(erf) = vpow2.f32 v0;
	_ =	sdelay $0x4  }
0x18: {  	s21 =	simm.s32 $0x80  }
0x19: {  	s4 =	sor.u32 s1, s21  }
0x1a: {  	v2 =	vor.u32 s4, v1;
	_ =	sdelay $0x1  }
0x1b: {  	s4 =	simm.s32 $0x8040;
	v3 =	vpop (erf)  }
0x1c: {  	s5 =	simm.s32 $0xB040;
	v0 =	vimm.f32 $0.0e+00;
	[tilespmem:s4+$0xFFFFFFC0] =	vst v3  }
0x1d: {  	[tilespmem:s5+$0xFFFFFFC0] =	vst v0  }
0x1e: {  	v2 =	vld.idx.msk [tilespmem:v2+s2+$0x0], $0xffff;
	_ =	sdelay $0x4  }
0x1f: {  	v2 =	vmul.f32 $1.442695020e+00, v2;
	_ =	sdelay $0x1  }
0x20: {  	(erf) = vpow2.f32 v2;
	_ =	sdelay $0x4  }
0x21: {  	s22 =	simm.s32 $0x100  }
0x22: {  	s6 =	sor.u32 s1, s22  }
0x23: {  	v2 =	vor.u32 s6, v1;
	_ =	sdelay $0x1  }
0x24: {  	v4 =	vpop (erf)  }
0x25: {  	[tilespmem:s4+$0xFFFFFFD0] =	vst v4  }
0x26: {  	[tilespmem:s5+$0xFFFFFFD0] =	vst v0  }
0x27: {  	v2 =	vld.idx.msk [tilespmem:v2+s2+$0x0], $0xffff;
	_ =	sdelay $0x4  }
0x28: {  	v2 =	vmul.f32 $1.442695020e+00, v2;
	_ =	sdelay $0x1  }
0x29: {  	(erf) = vpow2.f32 v2;
	_ =	sdelay $0x4  }
0x2a: {  	s23 =	simm.s32 $0x180  }
0x2b: {  	s6 =	sor.u32 s1, s23  }
0x2c: {  	v2 =	vor.u32 s6, v1;
	_ =	sdelay $0x1  }
0x2d: {  	v5 =	vpop (erf)  }
0x2e: {  	[tilespmem:s4+$0xFFFFFFE0] =	vst v5  }
0x2f: {  	[tilespmem:s5+$0xFFFFFFE0] =	vst v0  }
0x30: {  	v2 =	vld.idx.msk [tilespmem:v2+s2+$0x0], $0xffff;
	_ =	sdelay $0x4  }
0x31: {  	v2 =	vmul.f32 $1.442695020e+00, v2;
	_ =	sdelay $0x1  }
0x32: {  	(erf) = vpow2.f32 v2;
	_ =	sdelay $0x4  }
0x33: {  	s24 =	simm.s32 $0x200  }
0x34: {  	s6 =	sor.u32 s1, s24  }
0x35: {  	v2 =	vor.u32 s6, v1;
	_ =	sdelay $0x1  }
0x36: {  	v6 =	vpop (erf)  }
0x37: {  	[tilespmem:s4+$0xFFFFFFF0] =	vst v6  }
0x38: {  	[tilespmem:s5+$0xFFFFFFF0] =	vst v0  }
0x39: {  	v2 =	vld.idx.msk [tilespmem:v2+s2+$0x0], $0xffff;
	_ =	sdelay $0x4  }
0x3a: {  	v2 =	vmul.f32 $1.442695020e+00, v2;
	_ =	sdelay $0x1  }
0x3b: {  	(erf) = vpow2.f32 v2;
	_ =	sdelay $0x4  }
0x3c: {  	s25 =	simm.s32 $0x280  }
0x3d: {  	s6 =	sor.u32 s1, s25  }
0x3e: {  	v2 =	vor.u32 s6, v1;
	_ =	sdelay $0x1  }
0x3f: {  	v7 =	vpop (erf)  }
0x40: {  	[tilespmem:s4+$0x0] =	vst v7  }
0x41: {  	[tilespmem:s5+$0x0] =	vst v0  }
0x42: {  	v2 =	vld.idx.msk [tilespmem:v2+s2+$0x0], $0xffff;
	_ =	sdelay $0x4  }
0x43: {  	v2 =	vmul.f32 $1.442695020e+00, v2;
	_ =	sdelay $0x1  }
0x44: {  	(erf) = vpow2.f32 v2;
	_ =	sdelay $0x4  }
0x45: {  	s26 =	simm.s32 $0x300  }
0x46: {  	s6 =	sor.u32 s1, s26  }
0x47: {  	v2 =	vor.u32 s6, v1;
	_ =	sdelay $0x1  }
0x48: {  	v8 =	vpop (erf)  }
0x49: {  	[tilespmem:s4+$0x10] =	vst v8  }
0x4a: {  	[tilespmem:s5+$0x10] =	vst v0  }
0x4b: {  	v2 =	vld.idx.msk [tilespmem:v2+s2+$0x0], $0xffff;
	_ =	sdelay $0x4  }
0x4c: {  	v2 =	vmul.f32 $1.442695020e+00, v2;
	_ =	sdelay $0x1  }
0x4d: {  	(erf) = vpow2.f32 v2;
	_ =	sdelay $0x4  }
0x4e: {  	s28 =	simm.s32 $0x380  }
0x4f: {  	s6 =	sor.u32 s1, s28  }
0x50: {  	v2 =	vor.u32 s6, v1;
	_ =	sdelay $0x1  }
0x51: {  	v9 =	vpop (erf)  }
0x52: {  	[tilespmem:s4+$0x20] =	vst v9  }
0x53: {  	[tilespmem:s5+$0x20] =	vst v0  }
0x54: {  	v2 =	vld.idx.msk [tilespmem:v2+s2+$0x0], $0xffff;
	_ =	sdelay $0x2  }
0x55: {  	v3 =	vadd.f32 v3, v0;
	_ =	sdelay $0x1  }
0x56: {  	v3 =	vadd.f32 v4, v3;
	v2 =	vmul.f32 $1.442695020e+00, v2;
	_ =	sdelay $0x1  }
0x57: {  	v3 =	vadd.f32 v5, v3;
	(erf) = vpow2.f32 v2;
	_ =	sdelay $0x1  }
0x58: {  	v2 =	vadd.f32 v6, v3;
	_ =	sdelay $0x1  }
0x59: {  	v2 =	vadd.f32 v7, v2  }
0x5a: {  	s30 =	simm.s32 $0x400  }
0x5b: {  	s31 =	sor.u32 s1, s30;
	v2 =	vadd.f32 v8, v2  }
0x5c: {  	v3 =	vor.u32 s31, v1  }
0x5d: {  	s29 =	sshll.u32 s1, $0x4;
	v2 =	vadd.f32 v9, v2  }
0x5e: {  	s3 =	sadd.s32 s29, s3;
	v4 =	vpop (erf)  }
0x5f: {  	s3 =	sadd.s32 $0x1000, s3;
	s7 =	simm.s32 $0x8;
	s6 =	simm.s32 $0x780;
	[tilespmem:s4+$0x30] =	vst v4;
	v2 =	vadd.f32 v4, v2  }
.LBB2_2:
0x60: {  	s7 =	sadd.s32 $0x8, s7;
	[tilespmem:s5+$0x30] =	vst v0;
	s5 =	sadd.s32 $0x80, s5;
	s4 =	sadd.s32 $0x80, s4  }
0x61: {  	p0 =	slt.u32 s7, $0xF8;
	v3 =	vld.idx.msk [tilespmem:v3+s2+$0x0], $0xffff;
	_ =	sdelay $0x5  }
0x62: {  	v3 =	vmul.f32 $1.442695020e+00, v3;
	_ =	sdelay $0x1  }
0x63: {  	(erf) = vpow2.f32 v3;
	_ =	sdelay $0x4  }
0x64: {  	s8 =	sadd.s32 $0xFFFFFD00, s6  }
0x65: {  	s8 =	sor.u32 s1, s8  }
0x66: {  	v3 =	vor.u32 s8, v1;
	_ =	sdelay $0x1  }
0x67: {  	v4 =	vpop (erf)  }
0x68: {  	[tilespmem:s4+$0xFFFFFFC0] =	vst v4  }
0x69: {  	[tilespmem:s5+$0xFFFFFFC0] =	vst v0  }
0x6a: {  	v3 =	vld.idx.msk [tilespmem:v3+s2+$0x0], $0xffff;
	_ =	sdelay $0x5  }
0x6b: {  	v3 =	vmul.f32 $1.442695020e+00, v3;
	_ =	sdelay $0x1  }
0x6c: {  	(erf) = vpow2.f32 v3;
	_ =	sdelay $0x4  }
0x6d: {  	s8 =	sadd.s32 $0xFFFFFD80, s6  }
0x6e: {  	s8 =	sor.u32 s1, s8  }
0x6f: {  	v3 =	vor.u32 s8, v1;
	_ =	sdelay $0x1  }
0x70: {  	v5 =	vpop (erf)  }
0x71: {  	[tilespmem:s4+$0xFFFFFFD0] =	vst v5  }
0x72: {  	[tilespmem:s5+$0xFFFFFFD0] =	vst v0  }
0x73: {  	v3 =	vld.idx.msk [tilespmem:v3+s2+$0x0], $0xffff;
	_ =	sdelay $0x5  }
0x74: {  	v3 =	vmul.f32 $1.442695020e+00, v3;
	_ =	sdelay $0x1  }
0x75: {  	(erf) = vpow2.f32 v3;
	_ =	sdelay $0x4  }
0x76: {  	s8 =	sadd.s32 $0xFFFFFE00, s6  }
0x77: {  	v2 =	vadd.f32 v4, v2;
	s8 =	sor.u32 s1, s8  }
0x78: {  	v3 =	vor.u32 s8, v1  }
0x79: {  	v2 =	vadd.f32 v5, v2  }
0x7a: {  	v4 =	vpop (erf)  }
0x7b: {  	[tilespmem:s4+$0xFFFFFFE0] =	vst v4;
	v2 =	vadd.f32 v4, v2  }
0x7c: {  	[tilespmem:s5+$0xFFFFFFE0] =	vst v0  }
0x7d: {  	v3 =	vld.idx.msk [tilespmem:v3+s2+$0x0], $0xffff;
	_ =	sdelay $0x5  }
0x7e: {  	v3 =	vmul.f32 $1.442695020e+00, v3;
	_ =	sdelay $0x1  }
0x7f: {  	(erf) = vpow2.f32 v3;
	_ =	sdelay $0x4  }
0x80: {  	s8 =	sadd.s32 $0xFFFFFE80, s6  }
0x81: {  	s8 =	sor.u32 s1, s8  }
0x82: {  	v3 =	vor.u32 s8, v1;
	_ =	sdelay $0x1  }
0x83: {  	v4 =	vpop (erf)  }
0x84: {  	[tilespmem:s4+$0xFFFFFFF0] =	vst v4;
	v2 =	vadd.f32 v4, v2  }
0x85: {  	[tilespmem:s5+$0xFFFFFFF0] =	vst v0  }
0x86: {  	v3 =	vld.idx.msk [tilespmem:v3+s2+$0x0], $0xffff;
	_ =	sdelay $0x5  }
0x87: {  	v3 =	vmul.f32 $1.442695020e+00, v3;
	_ =	sdelay $0x1  }
0x88: {  	(erf) = vpow2.f32 v3;
	_ =	sdelay $0x4  }
0x89: {  	s8 =	sadd.s32 $0xFFFFFF00, s6  }
0x8a: {  	s8 =	sor.u32 s1, s8  }
0x8b: {  	v3 =	vor.u32 s8, v1;
	_ =	sdelay $0x1  }
0x8c: {  	v4 =	vpop (erf)  }
0x8d: {  	[tilespmem:s4+$0x0] =	vst v4  }
0x8e: {  	[tilespmem:s5+$0x0] =	vst v0  }
0x8f: {  	v3 =	vld.idx.msk [tilespmem:v3+s2+$0x0], $0xffff;
	_ =	sdelay $0x5  }
0x90: {  	v3 =	vmul.f32 $1.442695020e+00, v3;
	_ =	sdelay $0x1  }
0x91: {  	(erf) = vpow2.f32 v3;
	_ =	sdelay $0x4  }
0x92: {  	s8 =	sadd.s32 $0xFFFFFF80, s6  }
0x93: {  	s8 =	sor.u32 s1, s8  }
0x94: {  	v3 =	vor.u32 s8, v1;
	_ =	sdelay $0x1  }
0x95: {  	v5 =	vpop (erf)  }
0x96: {  	[tilespmem:s4+$0x10] =	vst v5  }
0x97: {  	[tilespmem:s5+$0x10] =	vst v0  }
0x98: {  	v3 =	vld.idx.msk [tilespmem:v3+s2+$0x0], $0xffff;
	_ =	sdelay $0x5  }
0x99: {  	v3 =	vmul.f32 $1.442695020e+00, v3;
	_ =	sdelay $0x1  }
0x9a: {  	(erf) = vpow2.f32 v3;
	_ =	sdelay $0x5  }
0x9b: {  	s8 =	sor.u32 s1, s6  }
0x9c: {  	v3 =	vor.u32 s8, v1;
	_ =	sdelay $0x1  }
0x9d: {  	v6 =	vpop (erf)  }
0x9e: {  	[tilespmem:s4+$0x20] =	vst v6  }
0x9f: {  	[tilespmem:s5+$0x20] =	vst v0  }
0xa0: {  	v3 =	vld.idx.msk [tilespmem:v3+s2+$0x0], $0xffff;
	_ =	sdelay $0x5  }
0xa1: {  	v3 =	vmul.f32 $1.442695020e+00, v3;
	_ =	sdelay $0x1  }
0xa2: {  	(erf) = vpow2.f32 v3;
	_ =	sdelay $0x3  }
0xa3: {  	v2 =	vadd.f32 v4, v2;
	s6 =	sadd.s32 $0x400, s6  }
0xa4: {  	s8 =	sadd.s32 $0xFFFFFC80, s6  }
.Ltmp1:
0xa5: {  	v2 =	vadd.f32 v5, v2;
	s8 =	sor.u32 s1, s8;
	(pc) =	sbr.rel @p0 .LBB2_2-.Ltmp1, $4  }
0xa6: {  	v3 =	vor.u32 s8, v1  }
0xa7: {  	v2 =	vadd.f32 v6, v2  }
0xa8: {  	v4 =	vpop (erf)  }
0xa9: {  	[tilespmem:s4+$0x30] =	vst v4;
	v2 =	vadd.f32 v4, v2  }
0xaa: {  	_ =	sdelay $0x2  }
0xab: {  	[tilespmem:s5+$0x30] =	vst v0  }
0xac: {  	v3 =	vld.idx.msk [tilespmem:v3+s2+$0x0], $0xffff;
	_ =	sdelay $0x4  }
0xad: {  	v3 =	vmul.f32 $1.442695020e+00, v3;
	_ =	sdelay $0x1  }
0xae: {  	(erf) = vpow2.f32 v3;
	_ =	sdelay $0x4  }
0xaf: {  	s7 =	sadd.s32 $0xFFFFFD00, s6  }
0xb0: {  	s7 =	sor.u32 s1, s7  }
0xb1: {  	v3 =	vor.u32 s7, v1;
	_ =	sdelay $0x1  }
0xb2: {  	s23 =	sadd.s32 $0x80, s4;
	v4 =	vpop (erf)  }
0xb3: {  	s24 =	sadd.s32 $0x80, s5;
	[tilespmem:s23+$0xFFFFFFC0] =	vst v4  }
0xb4: {  	[tilespmem:s24+$0xFFFFFFC0] =	vst v0  }
0xb5: {  	v3 =	vld.idx.msk [tilespmem:v3+s2+$0x0], $0xffff;
	_ =	sdelay $0x4  }
0xb6: {  	v3 =	vmul.f32 $1.442695020e+00, v3;
	_ =	sdelay $0x1  }
0xb7: {  	(erf) = vpow2.f32 v3;
	_ =	sdelay $0x4  }
0xb8: {  	s25 =	sadd.s32 $0xFFFFFD80, s6  }
0xb9: {  	s5 =	sor.u32 s1, s25  }
0xba: {  	v3 =	vor.u32 s5, v1;
	_ =	sdelay $0x1  }
0xbb: {  	v5 =	vpop (erf)  }
0xbc: {  	[tilespmem:s23+$0xFFFFFFD0] =	vst v5  }
0xbd: {  	[tilespmem:s24+$0xFFFFFFD0] =	vst v0  }
0xbe: {  	v3 =	vld.idx.msk [tilespmem:v3+s2+$0x0], $0xffff;
	_ =	sdelay $0x4  }
0xbf: {  	v3 =	vmul.f32 $1.442695020e+00, v3;
	_ =	sdelay $0x1  }
0xc0: {  	(erf) = vpow2.f32 v3;
	_ =	sdelay $0x4  }
0xc1: {  	s26 =	sadd.s32 $0xFFFFFE00, s6  }
0xc2: {  	s5 =	sor.u32 s1, s26  }
0xc3: {  	v3 =	vor.u32 s5, v1;
	_ =	sdelay $0x1  }
0xc4: {  	v6 =	vpop (erf)  }
0xc5: {  	[tilespmem:s23+$0xFFFFFFE0] =	vst v6  }
0xc6: {  	[tilespmem:s24+$0xFFFFFFE0] =	vst v0  }
0xc7: {  	v3 =	vld.idx.msk [tilespmem:v3+s2+$0x0], $0xffff;
	_ =	sdelay $0x4  }
0xc8: {  	v3 =	vmul.f32 $1.442695020e+00, v3;
	_ =	sdelay $0x1  }
0xc9: {  	(erf) = vpow2.f32 v3;
	_ =	sdelay $0x4  }
0xca: {  	s28 =	sadd.s32 $0xFFFFFE80, s6  }
0xcb: {  	s5 =	sor.u32 s1, s28  }
0xcc: {  	v3 =	vor.u32 s5, v1;
	_ =	sdelay $0x1  }
0xcd: {  	v7 =	vpop (erf)  }
0xce: {  	[tilespmem:s23+$0xFFFFFFF0] =	vst v7  }
0xcf: {  	[tilespmem:s24+$0xFFFFFFF0] =	vst v0  }
0xd0: {  	v3 =	vld.idx.msk [tilespmem:v3+s2+$0x0], $0xffff;
	_ =	sdelay $0x4  }
0xd1: {  	v3 =	vmul.f32 $1.442695020e+00, v3;
	_ =	sdelay $0x1  }
0xd2: {  	(erf) = vpow2.f32 v3;
	_ =	sdelay $0x4  }
0xd3: {  	s29 =	sadd.s32 $0xFFFFFF00, s6  }
0xd4: {  	s5 =	sor.u32 s1, s29  }
0xd5: {  	v3 =	vor.u32 s5, v1;
	_ =	sdelay $0x1  }
0xd6: {  	v8 =	vpop (erf)  }
0xd7: {  	[tilespmem:s23+$0x0] =	vst v8  }
0xd8: {  	[tilespmem:s24+$0x0] =	vst v0  }
0xd9: {  	v3 =	vld.idx.msk [tilespmem:v3+s2+$0x0], $0xffff;
	_ =	sdelay $0x4  }
0xda: {  	v3 =	vmul.f32 $1.442695020e+00, v3;
	_ =	sdelay $0x1  }
0xdb: {  	(erf) = vpow2.f32 v3;
	_ =	sdelay $0x4  }
0xdc: {  	s30 =	sadd.s32 $0xFFFFFF80, s6  }
0xdd: {  	s5 =	sor.u32 s1, s30  }
0xde: {  	v3 =	vor.u32 s5, v1;
	_ =	sdelay $0x1  }
0xdf: {  	v9 =	vpop (erf)  }
0xe0: {  	[tilespmem:s23+$0x10] =	vst v9  }
0xe1: {  	[tilespmem:s24+$0x10] =	vst v0  }
0xe2: {  	v3 =	vld.idx.msk [tilespmem:v3+s2+$0x0], $0xffff;
	_ =	sdelay $0x4  }
0xe3: {  	v3 =	vmul.f32 $1.442695020e+00, v3;
	_ =	sdelay $0x1  }
0xe4: {  	(erf) = vpow2.f32 v3;
	_ =	sdelay $0x5  }
0xe5: {  	s31 =	sor.u32 s1, s6  }
0xe6: {  	v1 =	vor.u32 s31, v1;
	_ =	sdelay $0x1  }
0xe7: {  	v3 =	vpop (erf)  }
0xe8: {  	[tilespmem:s23+$0x20] =	vst v3  }
0xe9: {  	[tilespmem:s24+$0x20] =	vst v0  }
0xea: {  	v1 =	vld.idx.msk [tilespmem:v1+s2+$0x0], $0xffff;
	_ =	sdelay $0x2  }
0xeb: {  	v2 =	vadd.f32 v4, v2;
	_ =	sdelay $0x1  }
0xec: {  	v2 =	vadd.f32 v5, v2;
	v1 =	vmul.f32 $1.442695020e+00, v1;
	_ =	sdelay $0x1  }
0xed: {  	v2 =	vadd.f32 v6, v2;
	(erf) = vpow2.f32 v1;
	_ =	sdelay $0x1  }
0xee: {  	v1 =	vadd.f32 v7, v2;
	_ =	sdelay $0x1  }
0xef: {  	v1 =	vadd.f32 v8, v1;
	_ =	sdelay $0x1  }
0xf0: {  	v1 =	vadd.f32 v9, v1;
	_ =	sdelay $0x1  }
0xf1: {  	v1 =	vadd.f32 v3, v1  }
0xf2: {  	v2 =	vpop (erf)  }
0xf3: {  	v1 =	vadd.f32 v2, v1;
	_ =	sdelay $0x1  }
0xf4: {  	(xrf2) =	vadd.scan.msk.f32 $0xffff, v1;
	_ =	sdelay $0x9  }
0xf5: {  	v1, _, _ =	vpop (xrf2)  }
0xf6: {  	v1 =	vadd.f32 $0.0e+00, v1;
	_ =	sdelay $0x1  }
0xf7: {  	v1 =	vbroadcast v1, $0xF;
	_ =	sdelay $0x1  }
0xf8: {  	(erf) = vrcp.f32 v1;
	_ =	sdelay $0x8  }
0xf9: {  	s4 =	simm.s32 $0xA040;
	s6 =	simm.s32 $0x8000;
	[tilespmem:s23+$0x30] =	vst v2;
	v1 =	vpop (erf)  }
0xfa: {  	s7 =	simm.s32 $0xB000;
	s5 =	simm.s32 $0x9040;
	s2 =	simm.s32 $0xFFFFFFF8;
	[tilespmem:s24+$0x30] =	vst v0;
	v0 =	vmul.f32 $1.000000010e-01, v1  }
.LBB2_4:
0xfb: {  	v1 =	vld [tilespmem:s5+$0xFFFFFFC0];
	_ =	sdelay $0x3  }
0xfc: {  	v2 =	vld [tilespmem:s4+$0xFFFFFFC0];
	_ =	sdelay $0x3  }
0xfd: {  	v3 =	vld.idx.msk [tilespmem:v1+s6+$0x0], $0xffff;
	v1 =	vadd.s32 $0x1, v1  }
0xfe: {  	vm0 =	vne.s32 v2, v1;
	_ =	sdelay $0x3  }
0xff: {  	v1 =	vmul.f32 v3, v0;
	_ =	sdelay $0x1  }
0x100: {  	[tilespmem:v2+s7+$0x0] =	vst.idx.add.f32.msk vm0, v1  }
0x101: {  	v1 =	vld [tilespmem:s5+$0xFFFFFFD0];
	_ =	sdelay $0x3  }
0x102: {  	v2 =	vld [tilespmem:s4+$0xFFFFFFD0];
	_ =	sdelay $0x3  }
0x103: {  	v3 =	vld.idx.msk [tilespmem:v1+s6+$0x0], $0xffff;
	v1 =	vadd.s32 $0x1, v1  }
0x104: {  	vm9 =	vne.s32 v2, v1;
	_ =	sdelay $0x3  }
0x105: {  	v1 =	vmul.f32 v3, v0;
	_ =	sdelay $0x1  }
0x106: {  	[tilespmem:v2+s7+$0x0] =	vst.idx.add.f32.msk vm9, v1  }
0x107: {  	v1 =	vld [tilespmem:s5+$0xFFFFFFE0];
	_ =	sdelay $0x3  }
0x108: {  	v2 =	vld [tilespmem:s4+$0xFFFFFFE0];
	_ =	sdelay $0x3  }
0x109: {  	v3 =	vld.idx.msk [tilespmem:v1+s6+$0x0], $0xffff;
	v1 =	vadd.s32 $0x1, v1  }
0x10a: {  	vm10 =	vne.s32 v2, v1;
	_ =	sdelay $0x3  }
0x10b: {  	v1 =	vmul.f32 v3, v0;
	_ =	sdelay $0x1  }
0x10c: {  	[tilespmem:v2+s7+$0x0] =	vst.idx.add.f32.msk vm10, v1  }
0x10d: {  	v1 =	vld [tilespmem:s5+$0xFFFFFFF0];
	_ =	sdelay $0x3  }
0x10e: {  	v2 =	vld [tilespmem:s4+$0xFFFFFFF0];
	_ =	sdelay $0x3  }
0x10f: {  	v3 =	vld.idx.msk [tilespmem:v1+s6+$0x0], $0xffff;
	v1 =	vadd.s32 $0x1, v1  }
0x110: {  	vm11 =	vne.s32 v2, v1;
	_ =	sdelay $0x3  }
0x111: {  	v1 =	vmul.f32 v3, v0;
	_ =	sdelay $0x1  }
0x112: {  	[tilespmem:v2+s7+$0x0] =	vst.idx.add.f32.msk vm11, v1  }
0x113: {  	v1 =	vld [tilespmem:s5+$0x0];
	_ =	sdelay $0x3  }
0x114: {  	v2 =	vld [tilespmem:s4+$0x0];
	_ =	sdelay $0x3  }
0x115: {  	v3 =	vld.idx.msk [tilespmem:v1+s6+$0x0], $0xffff;
	v1 =	vadd.s32 $0x1, v1  }
0x116: {  	vm12 =	vne.s32 v2, v1;
	_ =	sdelay $0x3  }
0x117: {  	v1 =	vmul.f32 v3, v0;
	_ =	sdelay $0x1  }
0x118: {  	[tilespmem:v2+s7+$0x0] =	vst.idx.add.f32.msk vm12, v1  }
0x119: {  	v1 =	vld [tilespmem:s5+$0x10];
	_ =	sdelay $0x3  }
0x11a: {  	v2 =	vld [tilespmem:s4+$0x10];
	_ =	sdelay $0x3  }
0x11b: {  	v3 =	vld.idx.msk [tilespmem:v1+s6+$0x0], $0xffff;
	v1 =	vadd.s32 $0x1, v1  }
0x11c: {  	vm13 =	vne.s32 v2, v1;
	_ =	sdelay $0x3  }
0x11d: {  	v1 =	vmul.f32 v3, v0;
	_ =	sdelay $0x1  }
0x11e: {  	[tilespmem:v2+s7+$0x0] =	vst.idx.add.f32.msk vm13, v1  }
0x11f: {  	v1 =	vld [tilespmem:s5+$0x20];
	_ =	sdelay $0x3  }
0x120: {  	v2 =	vld [tilespmem:s4+$0x20];
	_ =	sdelay $0x3  }
0x121: {  	v3 =	vld.idx.msk [tilespmem:v1+s6+$0x0], $0xffff;
	v1 =	vadd.s32 $0x1, v1  }
0x122: {  	vm14 =	vne.s32 v2, v1;
	_ =	sdelay $0x3  }
0x123: {  	v1 =	vmul.f32 v3, v0;
	_ =	sdelay $0x1  }
0x124: {  	[tilespmem:v2+s7+$0x0] =	vst.idx.add.f32.msk vm14, v1  }
0x125: {  	v1 =	vld [tilespmem:s5+$0x30];
	_ =	sdelay $0x3  }
0x126: {  	v2 =	vld [tilespmem:s4+$0x30];
	_ =	sdelay $0x3  }
0x127: {  	v3 =	vld.idx.msk [tilespmem:v1+s6+$0x0], $0xffff;
	v1 =	vadd.s32 $0x1, v1  }
0x128: {  	s2 =	sadd.s32 $0x8, s2;
	vm15 =	vne.s32 v2, v1  }
0x129: {  	p0 =	slt.u32 s2, $0xF8  }
.Ltmp2:
0x12a: {  	_ = 	snop;
	(pc) =	sbr.rel @p0 .LBB2_4-.Ltmp2, $3  }
0x12b: {  	_ = 	snop  }
0x12c: {  	v1 =	vmul.f32 v3, v0;
	_ =	sdelay $0x1  }
0x12d: {  	s5 =	sadd.s32 $0x80, s5;
	s4 =	sadd.s32 $0x80, s4;
	[tilespmem:v2+s7+$0x0] =	vst.idx.add.f32.msk vm15, v1  }
0x12e: {  	s2 =	simm.s32 $0x80  }
0x12f: {  	s4 =	simm.s32 $0x400;
	s5 =	simm.s32 $0xB000;
	s31 =	simm.s32 $0x1  }
0x130: {  	[hbm4b:s3+s2] =	stream.strided.scatter [tilespmem:s5], [sflag:$0x1], $0x1000, s4, s2, $0x38;
	[tilespmem:$0xC000] =	vst v63  }
0x131: {  	_ =	swait.ge [sflag:s31], $0x1000  }
0x132: {  	[sflag:s31] =	ssyncset.done $0x0  }
0x133: {  	[sflag:s31] =	ssyncadd.s32 $0xFFFFF000  }
.LBB2_6:
0x134: {  	_ =	sfence.sel $0x180000  }
0x135: {  	[bflag:$0x0] =	sbarrier.arrive $0xFFFF  }
0x136: {  	p0 =	sne.s32 s1, $0x0;
	_ =	strace $0x90000047  }
0x137: {  	s0 =	sadd.s32 @!p0 $0x100000, s0;
	[bflag:$0x2] =	sbarrier.arrive $0xFFFF  }
0x138: {  	[sflag:s0] =	ssyncadd.tile.s32 @!p0 $0x1;
	_ =	shalt  }
.Lfunc_end2:
_tile_overlayer_lowered:
.L_overlay_start_2:
0x139: {  	(tag) =	ssettag $0x2  }
0x13a: {  	s0 =	rddreg [dreg:$0x0];
	s2 =	stileid.u32  }
0x13b: {  	s1 =	rddreg [dreg:$0x1];
	p0 =	sne.s32 s2, $0x0  }
0x13c: {  	s3 =	rddreg [dreg:$0x2];
	[bflag:$0x3] =	sbarrier.arrive $0xFFFF;
	s2 =	simm.s32 @!p0 $0x1C01  }
0x13d: {  	[timem:s3], [sflag:s2] =	dma.local @!p0 [hbm:s0], s1  }
0x13e: {  	s0 =	simm.s32 @!p0 $0x1  }
0x13f: {  	_ =	swait.ge @!p0 [sflag:s0], s1  }
0x140: {  	s1 =	ssub.s32 @!p0 $0x0, s1;
	[sflag:s0] =	ssyncset.done @!p0 $0x0  }
0x141: {  	[sflag:s0] =	ssyncadd.s32 @!p0 s1  }
0x142: {  	[bflag:$0x3] =	sbarrier.arrive $0xFFFF  }
0x143: {  	_ =	shalt  }

</sc_bundles>
